<compile_context>
chip_gen: v7x
topology: tpu7x:2x2x1
jax: 0.10.2.dev20260603
libtpu: 0.0.44.dev20260713+nightly
codegen_flags: <defaults>
</compile_context>

<pallas_src>
import functools

import jax
import jax.numpy as jnp
from jax import lax
from jax.experimental import pallas as pl
from jax.experimental.pallas import tpu as pltpu
from jax.experimental.pallas import tpu_sc as plsc

_NUM_FEATURES = 128
_ZMAX = 87

_NUM_CORES = 2
_NUM_SUBCORES = 16
_NW = _NUM_CORES * _NUM_SUBCORES

_CHUNK = 64
_NBUF = 6
_LOOK = 3


def _table_body(emb_ref, ec_ref, cw_ref, out_ref):
    out_ref[...] = emb_ref[...] + lax.dot_general(
        ec_ref[...], cw_ref[...],
        dimension_numbers=(((1,), (1,)), ((), ())),
        preferred_element_type=jnp.float32,
    )


def _build_table(element_embedding, config_weight, electron_config):
    return pl.pallas_call(
        _table_body,
        out_shape=jax.ShapeDtypeStruct((_ZMAX, _NUM_FEATURES), jnp.float32),
    )(element_embedding, electron_config, config_weight)


def _sc_gather(table, z2d):
    zrows, zcols = z2d.shape
    n = zrows * zcols
    b_per_w = n // _NW
    rows_per_w = b_per_w // zcols
    n_chunks = b_per_w // _CHUNK
    mesh = plsc.VectorSubcoreMesh(core_axis_name="c", subcore_axis_name="s")

    @functools.partial(
        pl.kernel,
        mesh=mesh,
        out_type=jax.ShapeDtypeStruct((n, _NUM_FEATURES), jnp.float32),
        scratch_types=[
            pltpu.VMEM_SHARED((_ZMAX, _NUM_FEATURES), jnp.float32),
            pltpu.VMEM((rows_per_w, zcols), jnp.int32),
        ]
        + [pltpu.VMEM((_CHUNK, _NUM_FEATURES), jnp.float32)] * _NBUF
        + [pltpu.SemaphoreType.DMA] * (2 * _NBUF + 1),
    )
    def k(table_hbm, idx_hbm, out_hbm, table_sp, idx_v, *bs):
        bufs, gsems = bs[:_NBUF], bs[_NBUF:2 * _NBUF]
        osems, tsem = bs[2 * _NBUF:3 * _NBUF], bs[3 * _NBUF]
        wid = lax.axis_index("s") * _NUM_CORES + lax.axis_index("c")
        base = wid * b_per_w

        def start_gather(j, p):
            pltpu.async_copy(
                table_sp.at[idx_v.at[j]],
                bufs[p],
                gsems[p],
            )

        def wait_gather(p):
            pltpu.make_async_copy(
                out_hbm.at[pl.ds(0, _CHUNK)], bufs[p], gsems[p]
            ).wait()

        def wait_scatter(p):
            pltpu.make_async_copy(
                bufs[p], out_hbm.at[pl.ds(0, _CHUNK)], osems[p]
            ).wait()

        @pl.when(lax.axis_index("s") == 0)
        def _():
            pltpu.async_copy(table_hbm, table_sp, tsem)

        head = 8
        pltpu.sync_copy(
            idx_hbm.at[pl.ds(wid * rows_per_w, head)], idx_v.at[pl.ds(0, head)]
        )

        @pl.when(lax.axis_index("s") == 0)
        def _():
            pltpu.make_async_copy(table_hbm, table_sp, tsem).wait()

        plsc.subcore_barrier()

        for j in range(_LOOK):
            start_gather(j, j % _NBUF)

        pltpu.sync_copy(
            idx_hbm.at[pl.ds(wid * rows_per_w + head, rows_per_w - head)],
            idx_v.at[pl.ds(head, rows_per_w - head)],
        )

        def body(j, _):
            for p in range(_NBUF):
                @pl.when(j % _NBUF == p)
                def _(p=p):
                    wait_gather(p)
                    pltpu.async_copy(
                        bufs[p],
                        out_hbm.at[pl.ds(base + j * _CHUNK, _CHUNK)],
                        osems[p],
                    )

            @pl.when(j + _LOOK < n_chunks)
            def _():
                for q in range(_NBUF):
                    @pl.when((j + _LOOK) % _NBUF == q)
                    def _(q=q):
                        @pl.when(j + _LOOK >= _NBUF)
                        def _():
                            wait_scatter(q)

                        start_gather(j + _LOOK, q)

            return 0

        lax.fori_loop(0, n_chunks, body, 0)
        for p in range(_NBUF):
            wait_scatter(p)

    return k(table, z2d)


def kernel(Z, element_embedding, config_weight, electron_config):
    table = _build_table(element_embedding, config_weight, electron_config)
    out = _sc_gather(table, Z)
    return out.reshape(Z.shape + (_NUM_FEATURES,))

# --- scband reference (transcript-rebuilt; emitter-appended) ---
"""Pipeline reference for scband-embedding-11605001634320 (READ-ONLY COPY).

The authoritative reference and input builder live on the scoring server;
editing this copy changes nothing except your own understanding.
"""

import jax, jax.numpy as jnp
import numpy as np

NUM_FEATURES = 128
ZMAX = 87
N_CONFIG = 20  # columns of the electron_configurations table


def setup_inputs(seed: int = 0) -> dict:
    key = jax.random.key(seed)
    k1, k2, k3, k4 = jax.random.split(key, 4)
    # atomic-number indices for a batch of molecules
    Z = jax.random.randint(k1, (4096, 64), 0, ZMAX, dtype=jnp.int64 if jax.config.read('jax_enable_x64') else jnp.int32).astype(jnp.int32)
    # learned per-element embedding, init uniform(-sqrt(3), sqrt(3)) as in torch module
    element_embedding = jax.random.uniform(k2, (ZMAX, NUM_FEATURES), dtype=jnp.float32, minval=-np.sqrt(3), maxval=np.sqrt(3))
    # nn.Linear(N_CONFIG, NUM_FEATURES, bias=False) weight has shape [out, in] = [128, 20]
    config_weight = jax.random.normal(k3, (NUM_FEATURES, N_CONFIG), dtype=jnp.float32) * 0.1
    # registered buffer: electron configuration table [ZMAX, N_CONFIG] (constant, non-trainable)
    electron_config = jax.random.uniform(k4, (ZMAX, N_CONFIG), dtype=jnp.float32)
    return {"Z": Z, "element_embedding": element_embedding, "config_weight": config_weight, "electron_config": electron_config}


def reference(Z, element_embedding, config_weight, electron_config):
    # embedding = element_embedding + Linear(electron_config)  -> [ZMAX, NUM_FEATURES]
    embedding = element_embedding + electron_config @ config_weight.T
    # gather rows by atomic number
    return jnp.take(embedding, Z, axis=0)

if __name__ == "__main__":
    import jax
    _d = setup_inputs()
    print(jax.jit(kernel)(*tuple(_d.values())))

</pallas_src>

<mosaic_0001>
#map = affine_map<(d0, d1) -> (0, 0)>
module attributes {stable_mosaic.version = 14 : i64} {
  func.func @k(%arg0: i32, %arg1: i32, %arg2: memref<87x128xf32, #tpu.memory_space<hbm>>, %arg3: memref<4096x64xi32, #tpu.memory_space<hbm>>, %arg4: memref<262144x128xf32, #tpu.memory_space<hbm>>, %arg5: memref<87x128xf32, #tpu.memory_space<vmem_shared>>, %arg6: memref<128x64xi32, #tpu.memory_space<vmem>>, %arg7: memref<64x128xf32, #tpu.memory_space<vmem>>, %arg8: memref<64x128xf32, #tpu.memory_space<vmem>>, %arg9: memref<64x128xf32, #tpu.memory_space<vmem>>, %arg10: memref<64x128xf32, #tpu.memory_space<vmem>>, %arg11: memref<64x128xf32, #tpu.memory_space<vmem>>, %arg12: memref<64x128xf32, #tpu.memory_space<vmem>>, %arg13: memref<!tpu.dma_semaphore, #tpu.memory_space<semaphore_mem>>, %arg14: memref<!tpu.dma_semaphore, #tpu.memory_space<semaphore_mem>>, %arg15: memref<!tpu.dma_semaphore, #tpu.memory_space<semaphore_mem>>, %arg16: memref<!tpu.dma_semaphore, #tpu.memory_space<semaphore_mem>>, %arg17: memref<!tpu.dma_semaphore, #tpu.memory_space<semaphore_mem>>, %arg18: memref<!tpu.dma_semaphore, #tpu.memory_space<semaphore_mem>>, %arg19: memref<!tpu.dma_semaphore, #tpu.memory_space<semaphore_mem>>, %arg20: memref<!tpu.dma_semaphore, #tpu.memory_space<semaphore_mem>>, %arg21: memref<!tpu.dma_semaphore, #tpu.memory_space<semaphore_mem>>, %arg22: memref<!tpu.dma_semaphore, #tpu.memory_space<semaphore_mem>>, %arg23: memref<!tpu.dma_semaphore, #tpu.memory_space<semaphore_mem>>, %arg24: memref<!tpu.dma_semaphore, #tpu.memory_space<semaphore_mem>>, %arg25: memref<!tpu.dma_semaphore, #tpu.memory_space<semaphore_mem>>) attributes {dimension_semantics = [#tpu.dimension_semantics<core_parallel>, #tpu.dimension_semantics<subcore_parallel>], iteration_bounds = array<i64: 2, 16>, scalar_prefetch = 0 : i64, scratch_operands = 21 : i64, tpu.core_type = #tpu.core_type<sc_vector_subcore>, window_params = [{transform_indices = #map}, {transform_indices = #map}, {transform_indices = #map}]} {
    %mul3A = arith.constant 2 : i32
    %mul3A_0 = arith.muli %arg1, %mul3A : i32
    %add3A = arith.addi %mul3A_0, %arg0 : i32
    %mul3A_1 = arith.constant 8192 : i32
    %mul3A_2 = arith.muli %add3A, %mul3A_1 : i32
    %eq3A = arith.constant 0 : i32
    %eq3A_3 = arith.cmpi eq, %arg1, %eq3A : i32
    %convert_element_type3A = arith.extui %eq3A_3 : i1 to i32
    %cond3A = arith.constant 0 : i32
    %cond3A_4 = arith.cmpi ne, %convert_element_type3A, %cond3A : i32
    scf.if %cond3A_4 {
      tpu.enqueue_dma source(%arg2 : memref<87x128xf32, #tpu.memory_space<hbm>>) target(%arg5 : memref<87x128xf32, #tpu.memory_space<vmem_shared>>) target_semaphore(%arg25 : memref<!tpu.dma_semaphore, #tpu.memory_space<semaphore_mem>>)
    } else {
    }
    %mul3A_5 = arith.constant 128 : i32
    %mul3A_6 = arith.muli %add3A, %mul3A_5 : i32
    "tpu.region"() ({
      %run_scoped3A = tpu.sem_alloc : memref<!tpu.dma_semaphore, #tpu.memory_space<semaphore_mem>>
      %dma_start3A_77 = arith.constant 0 : i32
      %dma_start3A_78 = arith.constant 0 : i32
      %dma_start3A_79 = tpu.memref_slice %arg6[%dma_start3A_77, %dma_start3A_78] : memref<128x64xi32, #tpu.memory_space<vmem>> -> memref<8x64xi32, #tpu.memory_space<vmem>>
      %dma_start3A_80 = arith.constant 0 : i32
      %dma_start3A_81 = tpu.memref_slice %arg3[%mul3A_6, %dma_start3A_80] : memref<4096x64xi32, #tpu.memory_space<hbm>> -> memref<8x64xi32, #tpu.memory_space<hbm>>
      %dma_start3A_82 = arith.constant 0 : i32
      %dma_start3A_83 = arith.constant 0 : i32
      %dma_start3A_84 = tpu.memref_slice %arg6[%dma_start3A_82, %dma_start3A_83] : memref<128x64xi32, #tpu.memory_space<vmem>> -> memref<8x64xi32, #tpu.memory_space<vmem>>
      %dma_start3A_85 = arith.constant 0 : i32
      %dma_start3A_86 = tpu.memref_slice %arg3[%mul3A_6, %dma_start3A_85] : memref<4096x64xi32, #tpu.memory_space<hbm>> -> memref<8x64xi32, #tpu.memory_space<hbm>>
      tpu.enqueue_dma source(%dma_start3A_86 : memref<8x64xi32, #tpu.memory_space<hbm>>) target(%dma_start3A_84 : memref<8x64xi32, #tpu.memory_space<vmem>>) target_semaphore(%run_scoped3A : memref<!tpu.dma_semaphore, #tpu.memory_space<semaphore_mem>>)
      %dma_wait3A_87 = arith.constant 0 : i32
      %dma_wait3A_88 = arith.constant 0 : i32
      %dma_wait3A_89 = tpu.memref_slice %arg6[%dma_wait3A_87, %dma_wait3A_88] : memref<128x64xi32, #tpu.memory_space<vmem>> -> memref<8x64xi32, #tpu.memory_space<vmem>>
      %dma_wait3A_90 = arith.constant 0 : i32
      %dma_wait3A_91 = tpu.memref_slice %arg3[%mul3A_6, %dma_wait3A_90] : memref<4096x64xi32, #tpu.memory_space<hbm>> -> memref<8x64xi32, #tpu.memory_space<hbm>>
      %dma_wait3A_92 = arith.constant 0 : i32
      %dma_wait3A_93 = arith.constant 0 : i32
      %dma_wait3A_94 = tpu.memref_slice %arg6[%dma_wait3A_92, %dma_wait3A_93] : memref<128x64xi32, #tpu.memory_space<vmem>> -> memref<8x64xi32, #tpu.memory_space<vmem>>
      %dma_wait3A_95 = arith.constant 0 : i32
      %dma_wait3A_96 = tpu.memref_slice %arg3[%mul3A_6, %dma_wait3A_95] : memref<4096x64xi32, #tpu.memory_space<hbm>> -> memref<8x64xi32, #tpu.memory_space<hbm>>
      tpu.wait_dma2 semaphore(%run_scoped3A : memref<!tpu.dma_semaphore, #tpu.memory_space<semaphore_mem>>) src(%dma_wait3A_96 : memref<8x64xi32, #tpu.memory_space<hbm>>) dst(%dma_wait3A_94 : memref<8x64xi32, #tpu.memory_space<vmem>>)
      tpu.yield
    }) : () -> ()
    %eq3A_7 = arith.constant 0 : i32
    %eq3A_8 = arith.cmpi eq, %arg1, %eq3A_7 : i32
    %convert_element_type3A_9 = arith.extui %eq3A_8 : i1 to i32
    %cond3A_10 = arith.constant 0 : i32
    %cond3A_11 = arith.cmpi ne, %convert_element_type3A_9, %cond3A_10 : i32
    scf.if %cond3A_11 {
      tpu.wait_dma2 semaphore(%arg25 : memref<!tpu.dma_semaphore, #tpu.memory_space<semaphore_mem>>) src(%arg2 : memref<87x128xf32, #tpu.memory_space<hbm>>) dst(%arg5 : memref<87x128xf32, #tpu.memory_space<vmem_shared>>)
    } else {
    }
    %barrier3A = arith.constant 0 : index
    tpu.barrier barrier_id(%barrier3A)
    %dma_start3A = arith.constant 0 : i32
    %dma_start3A_12 = arith.constant 0 : i32
    %dma_start3A_13 = tpu.memref_slice %arg6[%dma_start3A, %dma_start3A_12] : memref<128x64xi32, #tpu.memory_space<vmem>> -> memref<1x64xi32, #tpu.memory_space<vmem>>
    %dma_start3A_14 = tpu.memref_squeeze %dma_start3A_13 : memref<1x64xi32, #tpu.memory_space<vmem>> -> memref<64xi32, #tpu.memory_space<vmem>>
    %dma_start3A_15 = arith.constant 0 : i32
    %dma_start3A_16 = arith.constant 0 : i32
    %dma_start3A_17 = tpu.memref_slice %arg5[%dma_start3A_15, %dma_start3A_16] : memref<87x128xf32, #tpu.memory_space<vmem_shared>> -> memref<87x128xf32, #tpu.memory_space<vmem_shared>>
    tpu.enqueue_indirect_dma source(%dma_start3A_17 : memref<87x128xf32, #tpu.memory_space<vmem_shared>>) target(%arg7 : memref<64x128xf32, #tpu.memory_space<vmem>>) offsets(%dma_start3A_14 : memref<64xi32, #tpu.memory_space<vmem>>) semaphore(%arg13 : memref<!tpu.dma_semaphore, #tpu.memory_space<semaphore_mem>>)
    %dma_start3A_18 = arith.constant 1 : i32
    %dma_start3A_19 = arith.constant 0 : i32
    %dma_start3A_20 = tpu.memref_slice %arg6[%dma_start3A_18, %dma_start3A_19] : memref<128x64xi32, #tpu.memory_space<vmem>> -> memref<1x64xi32, #tpu.memory_space<vmem>>
    %dma_start3A_21 = tpu.memref_squeeze %dma_start3A_20 : memref<1x64xi32, #tpu.memory_space<vmem>> -> memref<64xi32, #tpu.memory_space<vmem>>
    %dma_start3A_22 = arith.constant 0 : i32
    %dma_start3A_23 = arith.constant 0 : i32
    %dma_start3A_24 = tpu.memref_slice %arg5[%dma_start3A_22, %dma_start3A_23] : memref<87x128xf32, #tpu.memory_space<vmem_shared>> -> memref<87x128xf32, #tpu.memory_space<vmem_shared>>
    tpu.enqueue_indirect_dma source(%dma_start3A_24 : memref<87x128xf32, #tpu.memory_space<vmem_shared>>) target(%arg8 : memref<64x128xf32, #tpu.memory_space<vmem>>) offsets(%dma_start3A_21 : memref<64xi32, #tpu.memory_space<vmem>>) semaphore(%arg14 : memref<!tpu.dma_semaphore, #tpu.memory_space<semaphore_mem>>)
    %dma_start3A_25 = arith.constant 2 : i32
    %dma_start3A_26 = arith.constant 0 : i32
    %dma_start3A_27 = tpu.memref_slice %arg6[%dma_start3A_25, %dma_start3A_26] : memref<128x64xi32, #tpu.memory_space<vmem>> -> memref<1x64xi32, #tpu.memory_space<vmem>>
    %dma_start3A_28 = tpu.memref_squeeze %dma_start3A_27 : memref<1x64xi32, #tpu.memory_space<vmem>> -> memref<64xi32, #tpu.memory_space<vmem>>
    %dma_start3A_29 = arith.constant 0 : i32
    %dma_start3A_30 = arith.constant 0 : i32
    %dma_start3A_31 = tpu.memref_slice %arg5[%dma_start3A_29, %dma_start3A_30] : memref<87x128xf32, #tpu.memory_space<vmem_shared>> -> memref<87x128xf32, #tpu.memory_space<vmem_shared>>
    tpu.enqueue_indirect_dma source(%dma_start3A_31 : memref<87x128xf32, #tpu.memory_space<vmem_shared>>) target(%arg9 : memref<64x128xf32, #tpu.memory_space<vmem>>) offsets(%dma_start3A_28 : memref<64xi32, #tpu.memory_space<vmem>>) semaphore(%arg15 : memref<!tpu.dma_semaphore, #tpu.memory_space<semaphore_mem>>)
    %mul3A_32 = arith.constant 128 : i32
    %mul3A_33 = arith.muli %add3A, %mul3A_32 : i32
    %add3A_34 = arith.constant 8 : i32
    %add3A_35 = arith.addi %mul3A_33, %add3A_34 : i32
    "tpu.region"() ({
      %run_scoped3A = tpu.sem_alloc : memref<!tpu.dma_semaphore, #tpu.memory_space<semaphore_mem>>
      %dma_start3A_77 = arith.constant 8 : i32
      %dma_start3A_78 = arith.constant 0 : i32
      %dma_start3A_79 = tpu.memref_slice %arg6[%dma_start3A_77, %dma_start3A_78] : memref<128x64xi32, #tpu.memory_space<vmem>> -> memref<120x64xi32, #tpu.memory_space<vmem>>
      %dma_start3A_80 = arith.constant 0 : i32
      %dma_start3A_81 = tpu.memref_slice %arg3[%add3A_35, %dma_start3A_80] : memref<4096x64xi32, #tpu.memory_space<hbm>> -> memref<120x64xi32, #tpu.memory_space<hbm>>
      %dma_start3A_82 = arith.constant 8 : i32
      %dma_start3A_83 = arith.constant 0 : i32
      %dma_start3A_84 = tpu.memref_slice %arg6[%dma_start3A_82, %dma_start3A_83] : memref<128x64xi32, #tpu.memory_space<vmem>> -> memref<120x64xi32, #tpu.memory_space<vmem>>
      %dma_start3A_85 = arith.constant 0 : i32
      %dma_start3A_86 = tpu.memref_slice %arg3[%add3A_35, %dma_start3A_85] : memref<4096x64xi32, #tpu.memory_space<hbm>> -> memref<120x64xi32, #tpu.memory_space<hbm>>
      tpu.enqueue_dma source(%dma_start3A_86 : memref<120x64xi32, #tpu.memory_space<hbm>>) target(%dma_start3A_84 : memref<120x64xi32, #tpu.memory_space<vmem>>) target_semaphore(%run_scoped3A : memref<!tpu.dma_semaphore, #tpu.memory_space<semaphore_mem>>)
      %dma_wait3A_87 = arith.constant 8 : i32
      %dma_wait3A_88 = arith.constant 0 : i32
      %dma_wait3A_89 = tpu.memref_slice %arg6[%dma_wait3A_87, %dma_wait3A_88] : memref<128x64xi32, #tpu.memory_space<vmem>> -> memref<120x64xi32, #tpu.memory_space<vmem>>
      %dma_wait3A_90 = arith.constant 0 : i32
      %dma_wait3A_91 = tpu.memref_slice %arg3[%add3A_35, %dma_wait3A_90] : memref<4096x64xi32, #tpu.memory_space<hbm>> -> memref<120x64xi32, #tpu.memory_space<hbm>>
      %dma_wait3A_92 = arith.constant 8 : i32
      %dma_wait3A_93 = arith.constant 0 : i32
      %dma_wait3A_94 = tpu.memref_slice %arg6[%dma_wait3A_92, %dma_wait3A_93] : memref<128x64xi32, #tpu.memory_space<vmem>> -> memref<120x64xi32, #tpu.memory_space<vmem>>
      %dma_wait3A_95 = arith.constant 0 : i32
      %dma_wait3A_96 = tpu.memref_slice %arg3[%add3A_35, %dma_wait3A_95] : memref<4096x64xi32, #tpu.memory_space<hbm>> -> memref<120x64xi32, #tpu.memory_space<hbm>>
      tpu.wait_dma2 semaphore(%run_scoped3A : memref<!tpu.dma_semaphore, #tpu.memory_space<semaphore_mem>>) src(%dma_wait3A_96 : memref<120x64xi32, #tpu.memory_space<hbm>>) dst(%dma_wait3A_94 : memref<120x64xi32, #tpu.memory_space<vmem>>)
      tpu.yield
    }) : () -> ()
    %scan3A = arith.constant 0 : i32
    %scan3A_36 = arith.constant 0 : i32
    %scan3A_37 = arith.constant 128 : i32
    %scan3A_38 = arith.addi %scan3A_36, %scan3A_37 : i32
    %scan3A_39 = arith.constant 1 : i32
    %scan3A_40 = scf.for %scan3A_77 = %scan3A_36 to %scan3A_38 step %scan3A_39 iter_args(%scan3A_78 = %scan3A) -> (i32)  : i32 {
      %jit3A = arith.constant 6 : i32
      %eq3A_79 = arith.constant 0 : i32
      %eq3A_80 = arith.cmpi eq, %jit3A, %eq3A_79 : i32
      %jit3A_81 = arith.constant 1 : i32
      %select_n3A = arith.select %eq3A_80, %jit3A_81, %jit3A : i32
      %rem3A = arith.remsi %scan3A_77, %select_n3A : i32
      %ne3A = arith.constant 0 : i32
      %ne3A_82 = arith.cmpi ne, %rem3A, %ne3A : i32
      %lt3A = arith.constant 0 : i32
      %lt3A_83 = arith.cmpi slt, %rem3A, %lt3A : i32
      %lt3A_84 = arith.constant 0 : i32
      %lt3A_85 = arith.cmpi slt, %select_n3A, %lt3A_84 : i32
      %ne3A_86 = arith.xori %lt3A_83, %lt3A_85 : i1
      %and3A = arith.andi %ne3A_86, %ne3A_82 : i1
      %add3A_87 = arith.addi %rem3A, %select_n3A : i32
      %select_n3A_88 = arith.select %and3A, %add3A_87, %rem3A : i32
      %eq3A_89 = arith.constant 0 : i32
      %eq3A_90 = arith.cmpi eq, %select_n3A_88, %eq3A_89 : i32
      %convert_element_type3A_91 = arith.extui %eq3A_90 : i1 to i32
      %cond3A_92 = arith.constant 0 : i32
      %cond3A_93 = arith.cmpi ne, %convert_element_type3A_91, %cond3A_92 : i32
      scf.if %cond3A_93 {
        %dma_wait3A_207 = arith.constant 0 : i32
        %dma_wait3A_208 = arith.constant 0 : i32
        %dma_wait3A_209 = tpu.memref_slice %arg4[%dma_wait3A_207, %dma_wait3A_208] : memref<262144x128xf32, #tpu.memory_space<hbm>> -> memref<64x128xf32, #tpu.memory_space<hbm>>
        %dma_wait3A_210 = arith.constant 0 : i32
        %dma_wait3A_211 = arith.constant 0 : i32
        %dma_wait3A_212 = tpu.memref_slice %arg4[%dma_wait3A_210, %dma_wait3A_211] : memref<262144x128xf32, #tpu.memory_space<hbm>> -> memref<64x128xf32, #tpu.memory_space<hbm>>
        tpu.wait_dma2 semaphore(%arg13 : memref<!tpu.dma_semaphore, #tpu.memory_space<semaphore_mem>>) src(%dma_wait3A_212 : memref<64x128xf32, #tpu.memory_space<hbm>>) dst(%arg7 : memref<64x128xf32, #tpu.memory_space<vmem>>)
        %mul3A_213 = arith.constant 64 : i32
        %mul3A_214 = arith.muli %scan3A_77, %mul3A_213 : i32
        %add3A_215 = arith.addi %mul3A_2, %mul3A_214 : i32
        %dma_start3A_216 = arith.constant 0 : i32
        %dma_start3A_217 = tpu.memref_slice %arg4[%add3A_215, %dma_start3A_216] : memref<262144x128xf32, #tpu.memory_space<hbm>> -> memref<64x128xf32, #tpu.memory_space<hbm>>
        %dma_start3A_218 = arith.constant 0 : i32
        %dma_start3A_219 = tpu.memref_slice %arg4[%add3A_215, %dma_start3A_218] : memref<262144x128xf32, #tpu.memory_space<hbm>> -> memref<64x128xf32, #tpu.memory_space<hbm>>
        tpu.enqueue_dma source(%arg7 : memref<64x128xf32, #tpu.memory_space<vmem>>) target(%dma_start3A_219 : memref<64x128xf32, #tpu.memory_space<hbm>>) target_semaphore(%arg19 : memref<!tpu.dma_semaphore, #tpu.memory_space<semaphore_mem>>)
      } else {
      }
      %jit3A_94 = arith.constant 6 : i32
      %eq3A_95 = arith.constant 0 : i32
      %eq3A_96 = arith.cmpi eq, %jit3A_94, %eq3A_95 : i32
      %jit3A_97 = arith.constant 1 : i32
      %select_n3A_98 = arith.select %eq3A_96, %jit3A_97, %jit3A_94 : i32
      %rem3A_99 = arith.remsi %scan3A_77, %select_n3A_98 : i32
      %ne3A_100 = arith.constant 0 : i32
      %ne3A_101 = arith.cmpi ne, %rem3A_99, %ne3A_100 : i32
      %lt3A_102 = arith.constant 0 : i32
      %lt3A_103 = arith.cmpi slt, %rem3A_99, %lt3A_102 : i32
      %lt3A_104 = arith.constant 0 : i32
      %lt3A_105 = arith.cmpi slt, %select_n3A_98, %lt3A_104 : i32
      %ne3A_106 = arith.xori %lt3A_103, %lt3A_105 : i1
      %and3A_107 = arith.andi %ne3A_106, %ne3A_101 : i1
      %add3A_108 = arith.addi %rem3A_99, %select_n3A_98 : i32
      %select_n3A_109 = arith.select %and3A_107, %add3A_108, %rem3A_99 : i32
      %eq3A_110 = arith.constant 1 : i32
      %eq3A_111 = arith.cmpi eq, %select_n3A_109, %eq3A_110 : i32
      %convert_element_type3A_112 = arith.extui %eq3A_111 : i1 to i32
      %cond3A_113 = arith.constant 0 : i32
      %cond3A_114 = arith.cmpi ne, %convert_element_type3A_112, %cond3A_113 : i32
      scf.if %cond3A_114 {
        %dma_wait3A_207 = arith.constant 0 : i32
        %dma_wait3A_208 = arith.constant 0 : i32
        %dma_wait3A_209 = tpu.memref_slice %arg4[%dma_wait3A_207, %dma_wait3A_208] : memref<262144x128xf32, #tpu.memory_space<hbm>> -> memref<64x128xf32, #tpu.memory_space<hbm>>
        %dma_wait3A_210 = arith.constant 0 : i32
        %dma_wait3A_211 = arith.constant 0 : i32
        %dma_wait3A_212 = tpu.memref_slice %arg4[%dma_wait3A_210, %dma_wait3A_211] : memref<262144x128xf32, #tpu.memory_space<hbm>> -> memref<64x128xf32, #tpu.memory_space<hbm>>
        tpu.wait_dma2 semaphore(%arg14 : memref<!tpu.dma_semaphore, #tpu.memory_space<semaphore_mem>>) src(%dma_wait3A_212 : memref<64x128xf32, #tpu.memory_space<hbm>>) dst(%arg8 : memref<64x128xf32, #tpu.memory_space<vmem>>)
        %mul3A_213 = arith.constant 64 : i32
        %mul3A_214 = arith.muli %scan3A_77, %mul3A_213 : i32
        %add3A_215 = arith.addi %mul3A_2, %mul3A_214 : i32
        %dma_start3A_216 = arith.constant 0 : i32
        %dma_start3A_217 = tpu.memref_slice %arg4[%add3A_215, %dma_start3A_216] : memref<262144x128xf32, #tpu.memory_space<hbm>> -> memref<64x128xf32, #tpu.memory_space<hbm>>
        %dma_start3A_218 = arith.constant 0 : i32
        %dma_start3A_219 = tpu.memref_slice %arg4[%add3A_215, %dma_start3A_218] : memref<262144x128xf32, #tpu.memory_space<hbm>> -> memref<64x128xf32, #tpu.memory_space<hbm>>
        tpu.enqueue_dma source(%arg8 : memref<64x128xf32, #tpu.memory_space<vmem>>) target(%dma_start3A_219 : memref<64x128xf32, #tpu.memory_space<hbm>>) target_semaphore(%arg20 : memref<!tpu.dma_semaphore, #tpu.memory_space<semaphore_mem>>)
      } else {
      }
      %jit3A_115 = arith.constant 6 : i32
      %eq3A_116 = arith.constant 0 : i32
      %eq3A_117 = arith.cmpi eq, %jit3A_115, %eq3A_116 : i32
      %jit3A_118 = arith.constant 1 : i32
      %select_n3A_119 = arith.select %eq3A_117, %jit3A_118, %jit3A_115 : i32
      %rem3A_120 = arith.remsi %scan3A_77, %select_n3A_119 : i32
      %ne3A_121 = arith.constant 0 : i32
      %ne3A_122 = arith.cmpi ne, %rem3A_120, %ne3A_121 : i32
      %lt3A_123 = arith.constant 0 : i32
      %lt3A_124 = arith.cmpi slt, %rem3A_120, %lt3A_123 : i32
      %lt3A_125 = arith.constant 0 : i32
      %lt3A_126 = arith.cmpi slt, %select_n3A_119, %lt3A_125 : i32
      %ne3A_127 = arith.xori %lt3A_124, %lt3A_126 : i1
      %and3A_128 = arith.andi %ne3A_127, %ne3A_122 : i1
      %add3A_129 = arith.addi %rem3A_120, %select_n3A_119 : i32
      %select_n3A_130 = arith.select %and3A_128, %add3A_129, %rem3A_120 : i32
      %eq3A_131 = arith.constant 2 : i32
      %eq3A_132 = arith.cmpi eq, %select_n3A_130, %eq3A_131 : i32
      %convert_element_type3A_133 = arith.extui %eq3A_132 : i1 to i32
      %cond3A_134 = arith.constant 0 : i32
      %cond3A_135 = arith.cmpi ne, %convert_element_type3A_133, %cond3A_134 : i32
      scf.if %cond3A_135 {
        %dma_wait3A_207 = arith.constant 0 : i32
        %dma_wait3A_208 = arith.constant 0 : i32
        %dma_wait3A_209 = tpu.memref_slice %arg4[%dma_wait3A_207, %dma_wait3A_208] : memref<262144x128xf32, #tpu.memory_space<hbm>> -> memref<64x128xf32, #tpu.memory_space<hbm>>
        %dma_wait3A_210 = arith.constant 0 : i32
        %dma_wait3A_211 = arith.constant 0 : i32
        %dma_wait3A_212 = tpu.memref_slice %arg4[%dma_wait3A_210, %dma_wait3A_211] : memref<262144x128xf32, #tpu.memory_space<hbm>> -> memref<64x128xf32, #tpu.memory_space<hbm>>
        tpu.wait_dma2 semaphore(%arg15 : memref<!tpu.dma_semaphore, #tpu.memory_space<semaphore_mem>>) src(%dma_wait3A_212 : memref<64x128xf32, #tpu.memory_space<hbm>>) dst(%arg9 : memref<64x128xf32, #tpu.memory_space<vmem>>)
        %mul3A_213 = arith.constant 64 : i32
        %mul3A_214 = arith.muli %scan3A_77, %mul3A_213 : i32
        %add3A_215 = arith.addi %mul3A_2, %mul3A_214 : i32
        %dma_start3A_216 = arith.constant 0 : i32
        %dma_start3A_217 = tpu.memref_slice %arg4[%add3A_215, %dma_start3A_216] : memref<262144x128xf32, #tpu.memory_space<hbm>> -> memref<64x128xf32, #tpu.memory_space<hbm>>
        %dma_start3A_218 = arith.constant 0 : i32
        %dma_start3A_219 = tpu.memref_slice %arg4[%add3A_215, %dma_start3A_218] : memref<262144x128xf32, #tpu.memory_space<hbm>> -> memref<64x128xf32, #tpu.memory_space<hbm>>
        tpu.enqueue_dma source(%arg9 : memref<64x128xf32, #tpu.memory_space<vmem>>) target(%dma_start3A_219 : memref<64x128xf32, #tpu.memory_space<hbm>>) target_semaphore(%arg21 : memref<!tpu.dma_semaphore, #tpu.memory_space<semaphore_mem>>)
      } else {
      }
      %jit3A_136 = arith.constant 6 : i32
      %eq3A_137 = arith.constant 0 : i32
      %eq3A_138 = arith.cmpi eq, %jit3A_136, %eq3A_137 : i32
      %jit3A_139 = arith.constant 1 : i32
      %select_n3A_140 = arith.select %eq3A_138, %jit3A_139, %jit3A_136 : i32
      %rem3A_141 = arith.remsi %scan3A_77, %select_n3A_140 : i32
      %ne3A_142 = arith.constant 0 : i32
      %ne3A_143 = arith.cmpi ne, %rem3A_141, %ne3A_142 : i32
      %lt3A_144 = arith.constant 0 : i32
      %lt3A_145 = arith.cmpi slt, %rem3A_141, %lt3A_144 : i32
      %lt3A_146 = arith.constant 0 : i32
      %lt3A_147 = arith.cmpi slt, %select_n3A_140, %lt3A_146 : i32
      %ne3A_148 = arith.xori %lt3A_145, %lt3A_147 : i1
      %and3A_149 = arith.andi %ne3A_148, %ne3A_143 : i1
      %add3A_150 = arith.addi %rem3A_141, %select_n3A_140 : i32
      %select_n3A_151 = arith.select %and3A_149, %add3A_150, %rem3A_141 : i32
      %eq3A_152 = arith.constant 3 : i32
      %eq3A_153 = arith.cmpi eq, %select_n3A_151, %eq3A_152 : i32
      %convert_element_type3A_154 = arith.extui %eq3A_153 : i1 to i32
      %cond3A_155 = arith.constant 0 : i32
      %cond3A_156 = arith.cmpi ne, %convert_element_type3A_154, %cond3A_155 : i32
      scf.if %cond3A_156 {
        %dma_wait3A_207 = arith.constant 0 : i32
        %dma_wait3A_208 = arith.constant 0 : i32
        %dma_wait3A_209 = tpu.memref_slice %arg4[%dma_wait3A_207, %dma_wait3A_208] : memref<262144x128xf32, #tpu.memory_space<hbm>> -> memref<64x128xf32, #tpu.memory_space<hbm>>
        %dma_wait3A_210 = arith.constant 0 : i32
        %dma_wait3A_211 = arith.constant 0 : i32
        %dma_wait3A_212 = tpu.memref_slice %arg4[%dma_wait3A_210, %dma_wait3A_211] : memref<262144x128xf32, #tpu.memory_space<hbm>> -> memref<64x128xf32, #tpu.memory_space<hbm>>
        tpu.wait_dma2 semaphore(%arg16 : memref<!tpu.dma_semaphore, #tpu.memory_space<semaphore_mem>>) src(%dma_wait3A_212 : memref<64x128xf32, #tpu.memory_space<hbm>>) dst(%arg10 : memref<64x128xf32, #tpu.memory_space<vmem>>)
        %mul3A_213 = arith.constant 64 : i32
        %mul3A_214 = arith.muli %scan3A_77, %mul3A_213 : i32
        %add3A_215 = arith.addi %mul3A_2, %mul3A_214 : i32
        %dma_start3A_216 = arith.constant 0 : i32
        %dma_start3A_217 = tpu.memref_slice %arg4[%add3A_215, %dma_start3A_216] : memref<262144x128xf32, #tpu.memory_space<hbm>> -> memref<64x128xf32, #tpu.memory_space<hbm>>
        %dma_start3A_218 = arith.constant 0 : i32
        %dma_start3A_219 = tpu.memref_slice %arg4[%add3A_215, %dma_start3A_218] : memref<262144x128xf32, #tpu.memory_space<hbm>> -> memref<64x128xf32, #tpu.memory_space<hbm>>
        tpu.enqueue_dma source(%arg10 : memref<64x128xf32, #tpu.memory_space<vmem>>) target(%dma_start3A_219 : memref<64x128xf32, #tpu.memory_space<hbm>>) target_semaphore(%arg22 : memref<!tpu.dma_semaphore, #tpu.memory_space<semaphore_mem>>)
      } else {
      }
      %jit3A_157 = arith.constant 6 : i32
      %eq3A_158 = arith.constant 0 : i32
      %eq3A_159 = arith.cmpi eq, %jit3A_157, %eq3A_158 : i32
      %jit3A_160 = arith.constant 1 : i32
      %select_n3A_161 = arith.select %eq3A_159, %jit3A_160, %jit3A_157 : i32
      %rem3A_162 = arith.remsi %scan3A_77, %select_n3A_161 : i32
      %ne3A_163 = arith.constant 0 : i32
      %ne3A_164 = arith.cmpi ne, %rem3A_162, %ne3A_163 : i32
      %lt3A_165 = arith.constant 0 : i32
      %lt3A_166 = arith.cmpi slt, %rem3A_162, %lt3A_165 : i32
      %lt3A_167 = arith.constant 0 : i32
      %lt3A_168 = arith.cmpi slt, %select_n3A_161, %lt3A_167 : i32
      %ne3A_169 = arith.xori %lt3A_166, %lt3A_168 : i1
      %and3A_170 = arith.andi %ne3A_169, %ne3A_164 : i1
      %add3A_171 = arith.addi %rem3A_162, %select_n3A_161 : i32
      %select_n3A_172 = arith.select %and3A_170, %add3A_171, %rem3A_162 : i32
      %eq3A_173 = arith.constant 4 : i32
      %eq3A_174 = arith.cmpi eq, %select_n3A_172, %eq3A_173 : i32
      %convert_element_type3A_175 = arith.extui %eq3A_174 : i1 to i32
      %cond3A_176 = arith.constant 0 : i32
      %cond3A_177 = arith.cmpi ne, %convert_element_type3A_175, %cond3A_176 : i32
      scf.if %cond3A_177 {
        %dma_wait3A_207 = arith.constant 0 : i32
        %dma_wait3A_208 = arith.constant 0 : i32
        %dma_wait3A_209 = tpu.memref_slice %arg4[%dma_wait3A_207, %dma_wait3A_208] : memref<262144x128xf32, #tpu.memory_space<hbm>> -> memref<64x128xf32, #tpu.memory_space<hbm>>
        %dma_wait3A_210 = arith.constant 0 : i32
        %dma_wait3A_211 = arith.constant 0 : i32
        %dma_wait3A_212 = tpu.memref_slice %arg4[%dma_wait3A_210, %dma_wait3A_211] : memref<262144x128xf32, #tpu.memory_space<hbm>> -> memref<64x128xf32, #tpu.memory_space<hbm>>
        tpu.wait_dma2 semaphore(%arg17 : memref<!tpu.dma_semaphore, #tpu.memory_space<semaphore_mem>>) src(%dma_wait3A_212 : memref<64x128xf32, #tpu.memory_space<hbm>>) dst(%arg11 : memref<64x128xf32, #tpu.memory_space<vmem>>)
        %mul3A_213 = arith.constant 64 : i32
        %mul3A_214 = arith.muli %scan3A_77, %mul3A_213 : i32
        %add3A_215 = arith.addi %mul3A_2, %mul3A_214 : i32
        %dma_start3A_216 = arith.constant 0 : i32
        %dma_start3A_217 = tpu.memref_slice %arg4[%add3A_215, %dma_start3A_216] : memref<262144x128xf32, #tpu.memory_space<hbm>> -> memref<64x128xf32, #tpu.memory_space<hbm>>
        %dma_start3A_218 = arith.constant 0 : i32
        %dma_start3A_219 = tpu.memref_slice %arg4[%add3A_215, %dma_start3A_218] : memref<262144x128xf32, #tpu.memory_space<hbm>> -> memref<64x128xf32, #tpu.memory_space<hbm>>
        tpu.enqueue_dma source(%arg11 : memref<64x128xf32, #tpu.memory_space<vmem>>) target(%dma_start3A_219 : memref<64x128xf32, #tpu.memory_space<hbm>>) target_semaphore(%arg23 : memref<!tpu.dma_semaphore, #tpu.memory_space<semaphore_mem>>)
      } else {
      }
      %jit3A_178 = arith.constant 6 : i32
      %eq3A_179 = arith.constant 0 : i32
      %eq3A_180 = arith.cmpi eq, %jit3A_178, %eq3A_179 : i32
      %jit3A_181 = arith.constant 1 : i32
      %select_n3A_182 = arith.select %eq3A_180, %jit3A_181, %jit3A_178 : i32
      %rem3A_183 = arith.remsi %scan3A_77, %select_n3A_182 : i32
      %ne3A_184 = arith.constant 0 : i32
      %ne3A_185 = arith.cmpi ne, %rem3A_183, %ne3A_184 : i32
      %lt3A_186 = arith.constant 0 : i32
      %lt3A_187 = arith.cmpi slt, %rem3A_183, %lt3A_186 : i32
      %lt3A_188 = arith.constant 0 : i32
      %lt3A_189 = arith.cmpi slt, %select_n3A_182, %lt3A_188 : i32
      %ne3A_190 = arith.xori %lt3A_187, %lt3A_189 : i1
      %and3A_191 = arith.andi %ne3A_190, %ne3A_185 : i1
      %add3A_192 = arith.addi %rem3A_183, %select_n3A_182 : i32
      %select_n3A_193 = arith.select %and3A_191, %add3A_192, %rem3A_183 : i32
      %eq3A_194 = arith.constant 5 : i32
      %eq3A_195 = arith.cmpi eq, %select_n3A_193, %eq3A_194 : i32
      %convert_element_type3A_196 = arith.extui %eq3A_195 : i1 to i32
      %cond3A_197 = arith.constant 0 : i32
      %cond3A_198 = arith.cmpi ne, %convert_element_type3A_196, %cond3A_197 : i32
      scf.if %cond3A_198 {
        %dma_wait3A_207 = arith.constant 0 : i32
        %dma_wait3A_208 = arith.constant 0 : i32
        %dma_wait3A_209 = tpu.memref_slice %arg4[%dma_wait3A_207, %dma_wait3A_208] : memref<262144x128xf32, #tpu.memory_space<hbm>> -> memref<64x128xf32, #tpu.memory_space<hbm>>
        %dma_wait3A_210 = arith.constant 0 : i32
        %dma_wait3A_211 = arith.constant 0 : i32
        %dma_wait3A_212 = tpu.memref_slice %arg4[%dma_wait3A_210, %dma_wait3A_211] : memref<262144x128xf32, #tpu.memory_space<hbm>> -> memref<64x128xf32, #tpu.memory_space<hbm>>
        tpu.wait_dma2 semaphore(%arg18 : memref<!tpu.dma_semaphore, #tpu.memory_space<semaphore_mem>>) src(%dma_wait3A_212 : memref<64x128xf32, #tpu.memory_space<hbm>>) dst(%arg12 : memref<64x128xf32, #tpu.memory_space<vmem>>)
        %mul3A_213 = arith.constant 64 : i32
        %mul3A_214 = arith.muli %scan3A_77, %mul3A_213 : i32
        %add3A_215 = arith.addi %mul3A_2, %mul3A_214 : i32
        %dma_start3A_216 = arith.constant 0 : i32
        %dma_start3A_217 = tpu.memref_slice %arg4[%add3A_215, %dma_start3A_216] : memref<262144x128xf32, #tpu.memory_space<hbm>> -> memref<64x128xf32, #tpu.memory_space<hbm>>
        %dma_start3A_218 = arith.constant 0 : i32
        %dma_start3A_219 = tpu.memref_slice %arg4[%add3A_215, %dma_start3A_218] : memref<262144x128xf32, #tpu.memory_space<hbm>> -> memref<64x128xf32, #tpu.memory_space<hbm>>
        tpu.enqueue_dma source(%arg12 : memref<64x128xf32, #tpu.memory_space<vmem>>) target(%dma_start3A_219 : memref<64x128xf32, #tpu.memory_space<hbm>>) target_semaphore(%arg24 : memref<!tpu.dma_semaphore, #tpu.memory_space<semaphore_mem>>)
      } else {
      }
      %add3A_199 = arith.constant 3 : i32
      %add3A_200 = arith.addi %scan3A_77, %add3A_199 : i32
      %lt3A_201 = arith.constant 128 : i32
      %lt3A_202 = arith.cmpi slt, %add3A_200, %lt3A_201 : i32
      %convert_element_type3A_203 = arith.extui %lt3A_202 : i1 to i32
      %cond3A_204 = arith.constant 0 : i32
      %cond3A_205 = arith.cmpi ne, %convert_element_type3A_203, %cond3A_204 : i32
      scf.if %cond3A_205 {
        %add3A_207 = arith.constant 3 : i32
        %add3A_208 = arith.addi %scan3A_77, %add3A_207 : i32
        %jit3A_209 = arith.constant 6 : i32
        %eq3A_210 = arith.constant 0 : i32
        %eq3A_211 = arith.cmpi eq, %jit3A_209, %eq3A_210 : i32
        %jit3A_212 = arith.constant 1 : i32
        %select_n3A_213 = arith.select %eq3A_211, %jit3A_212, %jit3A_209 : i32
        %rem3A_214 = arith.remsi %add3A_208, %select_n3A_213 : i32
        %ne3A_215 = arith.constant 0 : i32
        %ne3A_216 = arith.cmpi ne, %rem3A_214, %ne3A_215 : i32
        %lt3A_217 = arith.constant 0 : i32
        %lt3A_218 = arith.cmpi slt, %rem3A_214, %lt3A_217 : i32
        %lt3A_219 = arith.constant 0 : i32
        %lt3A_220 = arith.cmpi slt, %select_n3A_213, %lt3A_219 : i32
        %ne3A_221 = arith.xori %lt3A_218, %lt3A_220 : i1
        %and3A_222 = arith.andi %ne3A_221, %ne3A_216 : i1
        %add3A_223 = arith.addi %rem3A_214, %select_n3A_213 : i32
        %select_n3A_224 = arith.select %and3A_222, %add3A_223, %rem3A_214 : i32
        %eq3A_225 = arith.constant 0 : i32
        %eq3A_226 = arith.cmpi eq, %select_n3A_224, %eq3A_225 : i32
        %convert_element_type3A_227 = arith.extui %eq3A_226 : i1 to i32
        %cond3A_228 = arith.constant 0 : i32
        %cond3A_229 = arith.cmpi ne, %convert_element_type3A_227, %cond3A_228 : i32
        scf.if %cond3A_229 {
          %add3A_345 = arith.constant 3 : i32
          %add3A_346 = arith.addi %scan3A_77, %add3A_345 : i32
          %ge3A = arith.constant 6 : i32
          %ge3A_347 = arith.cmpi sge, %add3A_346, %ge3A : i32
          %convert_element_type3A_348 = arith.extui %ge3A_347 : i1 to i32
          %cond3A_349 = arith.constant 0 : i32
          %cond3A_350 = arith.cmpi ne, %convert_element_type3A_348, %cond3A_349 : i32
          scf.if %cond3A_350 {
            %dma_wait3A_359 = arith.constant 0 : i32
            %dma_wait3A_360 = arith.constant 0 : i32
            %dma_wait3A_361 = tpu.memref_slice %arg4[%dma_wait3A_359, %dma_wait3A_360] : memref<262144x128xf32, #tpu.memory_space<hbm>> -> memref<64x128xf32, #tpu.memory_space<hbm>>
            %dma_wait3A_362 = arith.constant 0 : i32
            %dma_wait3A_363 = arith.constant 0 : i32
            %dma_wait3A_364 = tpu.memref_slice %arg4[%dma_wait3A_362, %dma_wait3A_363] : memref<262144x128xf32, #tpu.memory_space<hbm>> -> memref<64x128xf32, #tpu.memory_space<hbm>>
            tpu.wait_dma2 semaphore(%arg19 : memref<!tpu.dma_semaphore, #tpu.memory_space<semaphore_mem>>) src(%arg7 : memref<64x128xf32, #tpu.memory_space<vmem>>) dst(%dma_wait3A_364 : memref<64x128xf32, #tpu.memory_space<hbm>>)
          } else {
          }
          %add3A_351 = arith.constant 3 : i32
          %add3A_352 = arith.addi %scan3A_77, %add3A_351 : i32
          %dma_start3A_353 = arith.constant 0 : i32
          %dma_start3A_354 = tpu.memref_slice %arg6[%add3A_352, %dma_start3A_353] : memref<128x64xi32, #tpu.memory_space<vmem>> -> memref<1x64xi32, #tpu.memory_space<vmem>>
          %dma_start3A_355 = tpu.memref_squeeze %dma_start3A_354 : memref<1x64xi32, #tpu.memory_space<vmem>> -> memref<64xi32, #tpu.memory_space<vmem>>
          %dma_start3A_356 = arith.constant 0 : i32
          %dma_start3A_357 = arith.constant 0 : i32
          %dma_start3A_358 = tpu.memref_slice %arg5[%dma_start3A_356, %dma_start3A_357] : memref<87x128xf32, #tpu.memory_space<vmem_shared>> -> memref<87x128xf32, #tpu.memory_space<vmem_shared>>
          tpu.enqueue_indirect_dma source(%dma_start3A_358 : memref<87x128xf32, #tpu.memory_space<vmem_shared>>) target(%arg7 : memref<64x128xf32, #tpu.memory_space<vmem>>) offsets(%dma_start3A_355 : memref<64xi32, #tpu.memory_space<vmem>>) semaphore(%arg13 : memref<!tpu.dma_semaphore, #tpu.memory_space<semaphore_mem>>)
        } else {
        }
        %add3A_230 = arith.constant 3 : i32
        %add3A_231 = arith.addi %scan3A_77, %add3A_230 : i32
        %jit3A_232 = arith.constant 6 : i32
        %eq3A_233 = arith.constant 0 : i32
        %eq3A_234 = arith.cmpi eq, %jit3A_232, %eq3A_233 : i32
        %jit3A_235 = arith.constant 1 : i32
        %select_n3A_236 = arith.select %eq3A_234, %jit3A_235, %jit3A_232 : i32
        %rem3A_237 = arith.remsi %add3A_231, %select_n3A_236 : i32
        %ne3A_238 = arith.constant 0 : i32
        %ne3A_239 = arith.cmpi ne, %rem3A_237, %ne3A_238 : i32
        %lt3A_240 = arith.constant 0 : i32
        %lt3A_241 = arith.cmpi slt, %rem3A_237, %lt3A_240 : i32
        %lt3A_242 = arith.constant 0 : i32
        %lt3A_243 = arith.cmpi slt, %select_n3A_236, %lt3A_242 : i32
        %ne3A_244 = arith.xori %lt3A_241, %lt3A_243 : i1
        %and3A_245 = arith.andi %ne3A_244, %ne3A_239 : i1
        %add3A_246 = arith.addi %rem3A_237, %select_n3A_236 : i32
        %select_n3A_247 = arith.select %and3A_245, %add3A_246, %rem3A_237 : i32
        %eq3A_248 = arith.constant 1 : i32
        %eq3A_249 = arith.cmpi eq, %select_n3A_247, %eq3A_248 : i32
        %convert_element_type3A_250 = arith.extui %eq3A_249 : i1 to i32
        %cond3A_251 = arith.constant 0 : i32
        %cond3A_252 = arith.cmpi ne, %convert_element_type3A_250, %cond3A_251 : i32
        scf.if %cond3A_252 {
          %add3A_345 = arith.constant 3 : i32
          %add3A_346 = arith.addi %scan3A_77, %add3A_345 : i32
          %ge3A = arith.constant 6 : i32
          %ge3A_347 = arith.cmpi sge, %add3A_346, %ge3A : i32
          %convert_element_type3A_348 = arith.extui %ge3A_347 : i1 to i32
          %cond3A_349 = arith.constant 0 : i32
          %cond3A_350 = arith.cmpi ne, %convert_element_type3A_348, %cond3A_349 : i32
          scf.if %cond3A_350 {
            %dma_wait3A_359 = arith.constant 0 : i32
            %dma_wait3A_360 = arith.constant 0 : i32
            %dma_wait3A_361 = tpu.memref_slice %arg4[%dma_wait3A_359, %dma_wait3A_360] : memref<262144x128xf32, #tpu.memory_space<hbm>> -> memref<64x128xf32, #tpu.memory_space<hbm>>
            %dma_wait3A_362 = arith.constant 0 : i32
            %dma_wait3A_363 = arith.constant 0 : i32
            %dma_wait3A_364 = tpu.memref_slice %arg4[%dma_wait3A_362, %dma_wait3A_363] : memref<262144x128xf32, #tpu.memory_space<hbm>> -> memref<64x128xf32, #tpu.memory_space<hbm>>
            tpu.wait_dma2 semaphore(%arg20 : memref<!tpu.dma_semaphore, #tpu.memory_space<semaphore_mem>>) src(%arg8 : memref<64x128xf32, #tpu.memory_space<vmem>>) dst(%dma_wait3A_364 : memref<64x128xf32, #tpu.memory_space<hbm>>)
          } else {
          }
          %add3A_351 = arith.constant 3 : i32
          %add3A_352 = arith.addi %scan3A_77, %add3A_351 : i32
          %dma_start3A_353 = arith.constant 0 : i32
          %dma_start3A_354 = tpu.memref_slice %arg6[%add3A_352, %dma_start3A_353] : memref<128x64xi32, #tpu.memory_space<vmem>> -> memref<1x64xi32, #tpu.memory_space<vmem>>
          %dma_start3A_355 = tpu.memref_squeeze %dma_start3A_354 : memref<1x64xi32, #tpu.memory_space<vmem>> -> memref<64xi32, #tpu.memory_space<vmem>>
          %dma_start3A_356 = arith.constant 0 : i32
          %dma_start3A_357 = arith.constant 0 : i32
          %dma_start3A_358 = tpu.memref_slice %arg5[%dma_start3A_356, %dma_start3A_357] : memref<87x128xf32, #tpu.memory_space<vmem_shared>> -> memref<87x128xf32, #tpu.memory_space<vmem_shared>>
          tpu.enqueue_indirect_dma source(%dma_start3A_358 : memref<87x128xf32, #tpu.memory_space<vmem_shared>>) target(%arg8 : memref<64x128xf32, #tpu.memory_space<vmem>>) offsets(%dma_start3A_355 : memref<64xi32, #tpu.memory_space<vmem>>) semaphore(%arg14 : memref<!tpu.dma_semaphore, #tpu.memory_space<semaphore_mem>>)
        } else {
        }
        %add3A_253 = arith.constant 3 : i32
        %add3A_254 = arith.addi %scan3A_77, %add3A_253 : i32
        %jit3A_255 = arith.constant 6 : i32
        %eq3A_256 = arith.constant 0 : i32
        %eq3A_257 = arith.cmpi eq, %jit3A_255, %eq3A_256 : i32
        %jit3A_258 = arith.constant 1 : i32
        %select_n3A_259 = arith.select %eq3A_257, %jit3A_258, %jit3A_255 : i32
        %rem3A_260 = arith.remsi %add3A_254, %select_n3A_259 : i32
        %ne3A_261 = arith.constant 0 : i32
        %ne3A_262 = arith.cmpi ne, %rem3A_260, %ne3A_261 : i32
        %lt3A_263 = arith.constant 0 : i32
        %lt3A_264 = arith.cmpi slt, %rem3A_260, %lt3A_263 : i32
        %lt3A_265 = arith.constant 0 : i32
        %lt3A_266 = arith.cmpi slt, %select_n3A_259, %lt3A_265 : i32
        %ne3A_267 = arith.xori %lt3A_264, %lt3A_266 : i1
        %and3A_268 = arith.andi %ne3A_267, %ne3A_262 : i1
        %add3A_269 = arith.addi %rem3A_260, %select_n3A_259 : i32
        %select_n3A_270 = arith.select %and3A_268, %add3A_269, %rem3A_260 : i32
        %eq3A_271 = arith.constant 2 : i32
        %eq3A_272 = arith.cmpi eq, %select_n3A_270, %eq3A_271 : i32
        %convert_element_type3A_273 = arith.extui %eq3A_272 : i1 to i32
        %cond3A_274 = arith.constant 0 : i32
        %cond3A_275 = arith.cmpi ne, %convert_element_type3A_273, %cond3A_274 : i32
        scf.if %cond3A_275 {
          %add3A_345 = arith.constant 3 : i32
          %add3A_346 = arith.addi %scan3A_77, %add3A_345 : i32
          %ge3A = arith.constant 6 : i32
          %ge3A_347 = arith.cmpi sge, %add3A_346, %ge3A : i32
          %convert_element_type3A_348 = arith.extui %ge3A_347 : i1 to i32
          %cond3A_349 = arith.constant 0 : i32
          %cond3A_350 = arith.cmpi ne, %convert_element_type3A_348, %cond3A_349 : i32
          scf.if %cond3A_350 {
            %dma_wait3A_359 = arith.constant 0 : i32
            %dma_wait3A_360 = arith.constant 0 : i32
            %dma_wait3A_361 = tpu.memref_slice %arg4[%dma_wait3A_359, %dma_wait3A_360] : memref<262144x128xf32, #tpu.memory_space<hbm>> -> memref<64x128xf32, #tpu.memory_space<hbm>>
            %dma_wait3A_362 = arith.constant 0 : i32
            %dma_wait3A_363 = arith.constant 0 : i32
            %dma_wait3A_364 = tpu.memref_slice %arg4[%dma_wait3A_362, %dma_wait3A_363] : memref<262144x128xf32, #tpu.memory_space<hbm>> -> memref<64x128xf32, #tpu.memory_space<hbm>>
            tpu.wait_dma2 semaphore(%arg21 : memref<!tpu.dma_semaphore, #tpu.memory_space<semaphore_mem>>) src(%arg9 : memref<64x128xf32, #tpu.memory_space<vmem>>) dst(%dma_wait3A_364 : memref<64x128xf32, #tpu.memory_space<hbm>>)
          } else {
          }
          %add3A_351 = arith.constant 3 : i32
          %add3A_352 = arith.addi %scan3A_77, %add3A_351 : i32
          %dma_start3A_353 = arith.constant 0 : i32
          %dma_start3A_354 = tpu.memref_slice %arg6[%add3A_352, %dma_start3A_353] : memref<128x64xi32, #tpu.memory_space<vmem>> -> memref<1x64xi32, #tpu.memory_space<vmem>>
          %dma_start3A_355 = tpu.memref_squeeze %dma_start3A_354 : memref<1x64xi32, #tpu.memory_space<vmem>> -> memref<64xi32, #tpu.memory_space<vmem>>
          %dma_start3A_356 = arith.constant 0 : i32
          %dma_start3A_357 = arith.constant 0 : i32
          %dma_start3A_358 = tpu.memref_slice %arg5[%dma_start3A_356, %dma_start3A_357] : memref<87x128xf32, #tpu.memory_space<vmem_shared>> -> memref<87x128xf32, #tpu.memory_space<vmem_shared>>
          tpu.enqueue_indirect_dma source(%dma_start3A_358 : memref<87x128xf32, #tpu.memory_space<vmem_shared>>) target(%arg9 : memref<64x128xf32, #tpu.memory_space<vmem>>) offsets(%dma_start3A_355 : memref<64xi32, #tpu.memory_space<vmem>>) semaphore(%arg15 : memref<!tpu.dma_semaphore, #tpu.memory_space<semaphore_mem>>)
        } else {
        }
        %add3A_276 = arith.constant 3 : i32
        %add3A_277 = arith.addi %scan3A_77, %add3A_276 : i32
        %jit3A_278 = arith.constant 6 : i32
        %eq3A_279 = arith.constant 0 : i32
        %eq3A_280 = arith.cmpi eq, %jit3A_278, %eq3A_279 : i32
        %jit3A_281 = arith.constant 1 : i32
        %select_n3A_282 = arith.select %eq3A_280, %jit3A_281, %jit3A_278 : i32
        %rem3A_283 = arith.remsi %add3A_277, %select_n3A_282 : i32
        %ne3A_284 = arith.constant 0 : i32
        %ne3A_285 = arith.cmpi ne, %rem3A_283, %ne3A_284 : i32
        %lt3A_286 = arith.constant 0 : i32
        %lt3A_287 = arith.cmpi slt, %rem3A_283, %lt3A_286 : i32
        %lt3A_288 = arith.constant 0 : i32
        %lt3A_289 = arith.cmpi slt, %select_n3A_282, %lt3A_288 : i32
        %ne3A_290 = arith.xori %lt3A_287, %lt3A_289 : i1
        %and3A_291 = arith.andi %ne3A_290, %ne3A_285 : i1
        %add3A_292 = arith.addi %rem3A_283, %select_n3A_282 : i32
        %select_n3A_293 = arith.select %and3A_291, %add3A_292, %rem3A_283 : i32
        %eq3A_294 = arith.constant 3 : i32
        %eq3A_295 = arith.cmpi eq, %select_n3A_293, %eq3A_294 : i32
        %convert_element_type3A_296 = arith.extui %eq3A_295 : i1 to i32
        %cond3A_297 = arith.constant 0 : i32
        %cond3A_298 = arith.cmpi ne, %convert_element_type3A_296, %cond3A_297 : i32
        scf.if %cond3A_298 {
          %add3A_345 = arith.constant 3 : i32
          %add3A_346 = arith.addi %scan3A_77, %add3A_345 : i32
          %ge3A = arith.constant 6 : i32
          %ge3A_347 = arith.cmpi sge, %add3A_346, %ge3A : i32
          %convert_element_type3A_348 = arith.extui %ge3A_347 : i1 to i32
          %cond3A_349 = arith.constant 0 : i32
          %cond3A_350 = arith.cmpi ne, %convert_element_type3A_348, %cond3A_349 : i32
          scf.if %cond3A_350 {
            %dma_wait3A_359 = arith.constant 0 : i32
            %dma_wait3A_360 = arith.constant 0 : i32
            %dma_wait3A_361 = tpu.memref_slice %arg4[%dma_wait3A_359, %dma_wait3A_360] : memref<262144x128xf32, #tpu.memory_space<hbm>> -> memref<64x128xf32, #tpu.memory_space<hbm>>
            %dma_wait3A_362 = arith.constant 0 : i32
            %dma_wait3A_363 = arith.constant 0 : i32
            %dma_wait3A_364 = tpu.memref_slice %arg4[%dma_wait3A_362, %dma_wait3A_363] : memref<262144x128xf32, #tpu.memory_space<hbm>> -> memref<64x128xf32, #tpu.memory_space<hbm>>
            tpu.wait_dma2 semaphore(%arg22 : memref<!tpu.dma_semaphore, #tpu.memory_space<semaphore_mem>>) src(%arg10 : memref<64x128xf32, #tpu.memory_space<vmem>>) dst(%dma_wait3A_364 : memref<64x128xf32, #tpu.memory_space<hbm>>)
          } else {
          }
          %add3A_351 = arith.constant 3 : i32
          %add3A_352 = arith.addi %scan3A_77, %add3A_351 : i32
          %dma_start3A_353 = arith.constant 0 : i32
          %dma_start3A_354 = tpu.memref_slice %arg6[%add3A_352, %dma_start3A_353] : memref<128x64xi32, #tpu.memory_space<vmem>> -> memref<1x64xi32, #tpu.memory_space<vmem>>
          %dma_start3A_355 = tpu.memref_squeeze %dma_start3A_354 : memref<1x64xi32, #tpu.memory_space<vmem>> -> memref<64xi32, #tpu.memory_space<vmem>>
          %dma_start3A_356 = arith.constant 0 : i32
          %dma_start3A_357 = arith.constant 0 : i32
          %dma_start3A_358 = tpu.memref_slice %arg5[%dma_start3A_356, %dma_start3A_357] : memref<87x128xf32, #tpu.memory_space<vmem_shared>> -> memref<87x128xf32, #tpu.memory_space<vmem_shared>>
          tpu.enqueue_indirect_dma source(%dma_start3A_358 : memref<87x128xf32, #tpu.memory_space<vmem_shared>>) target(%arg10 : memref<64x128xf32, #tpu.memory_space<vmem>>) offsets(%dma_start3A_355 : memref<64xi32, #tpu.memory_space<vmem>>) semaphore(%arg16 : memref<!tpu.dma_semaphore, #tpu.memory_space<semaphore_mem>>)
        } else {
        }
        %add3A_299 = arith.constant 3 : i32
        %add3A_300 = arith.addi %scan3A_77, %add3A_299 : i32
        %jit3A_301 = arith.constant 6 : i32
        %eq3A_302 = arith.constant 0 : i32
        %eq3A_303 = arith.cmpi eq, %jit3A_301, %eq3A_302 : i32
        %jit3A_304 = arith.constant 1 : i32
        %select_n3A_305 = arith.select %eq3A_303, %jit3A_304, %jit3A_301 : i32
        %rem3A_306 = arith.remsi %add3A_300, %select_n3A_305 : i32
        %ne3A_307 = arith.constant 0 : i32
        %ne3A_308 = arith.cmpi ne, %rem3A_306, %ne3A_307 : i32
        %lt3A_309 = arith.constant 0 : i32
        %lt3A_310 = arith.cmpi slt, %rem3A_306, %lt3A_309 : i32
        %lt3A_311 = arith.constant 0 : i32
        %lt3A_312 = arith.cmpi slt, %select_n3A_305, %lt3A_311 : i32
        %ne3A_313 = arith.xori %lt3A_310, %lt3A_312 : i1
        %and3A_314 = arith.andi %ne3A_313, %ne3A_308 : i1
        %add3A_315 = arith.addi %rem3A_306, %select_n3A_305 : i32
        %select_n3A_316 = arith.select %and3A_314, %add3A_315, %rem3A_306 : i32
        %eq3A_317 = arith.constant 4 : i32
        %eq3A_318 = arith.cmpi eq, %select_n3A_316, %eq3A_317 : i32
        %convert_element_type3A_319 = arith.extui %eq3A_318 : i1 to i32
        %cond3A_320 = arith.constant 0 : i32
        %cond3A_321 = arith.cmpi ne, %convert_element_type3A_319, %cond3A_320 : i32
        scf.if %cond3A_321 {
          %add3A_345 = arith.constant 3 : i32
          %add3A_346 = arith.addi %scan3A_77, %add3A_345 : i32
          %ge3A = arith.constant 6 : i32
          %ge3A_347 = arith.cmpi sge, %add3A_346, %ge3A : i32
          %convert_element_type3A_348 = arith.extui %ge3A_347 : i1 to i32
          %cond3A_349 = arith.constant 0 : i32
          %cond3A_350 = arith.cmpi ne, %convert_element_type3A_348, %cond3A_349 : i32
          scf.if %cond3A_350 {
            %dma_wait3A_359 = arith.constant 0 : i32
            %dma_wait3A_360 = arith.constant 0 : i32
            %dma_wait3A_361 = tpu.memref_slice %arg4[%dma_wait3A_359, %dma_wait3A_360] : memref<262144x128xf32, #tpu.memory_space<hbm>> -> memref<64x128xf32, #tpu.memory_space<hbm>>
            %dma_wait3A_362 = arith.constant 0 : i32
            %dma_wait3A_363 = arith.constant 0 : i32
            %dma_wait3A_364 = tpu.memref_slice %arg4[%dma_wait3A_362, %dma_wait3A_363] : memref<262144x128xf32, #tpu.memory_space<hbm>> -> memref<64x128xf32, #tpu.memory_space<hbm>>
            tpu.wait_dma2 semaphore(%arg23 : memref<!tpu.dma_semaphore, #tpu.memory_space<semaphore_mem>>) src(%arg11 : memref<64x128xf32, #tpu.memory_space<vmem>>) dst(%dma_wait3A_364 : memref<64x128xf32, #tpu.memory_space<hbm>>)
          } else {
          }
          %add3A_351 = arith.constant 3 : i32
          %add3A_352 = arith.addi %scan3A_77, %add3A_351 : i32
          %dma_start3A_353 = arith.constant 0 : i32
          %dma_start3A_354 = tpu.memref_slice %arg6[%add3A_352, %dma_start3A_353] : memref<128x64xi32, #tpu.memory_space<vmem>> -> memref<1x64xi32, #tpu.memory_space<vmem>>
          %dma_start3A_355 = tpu.memref_squeeze %dma_start3A_354 : memref<1x64xi32, #tpu.memory_space<vmem>> -> memref<64xi32, #tpu.memory_space<vmem>>
          %dma_start3A_356 = arith.constant 0 : i32
          %dma_start3A_357 = arith.constant 0 : i32
          %dma_start3A_358 = tpu.memref_slice %arg5[%dma_start3A_356, %dma_start3A_357] : memref<87x128xf32, #tpu.memory_space<vmem_shared>> -> memref<87x128xf32, #tpu.memory_space<vmem_shared>>
          tpu.enqueue_indirect_dma source(%dma_start3A_358 : memref<87x128xf32, #tpu.memory_space<vmem_shared>>) target(%arg11 : memref<64x128xf32, #tpu.memory_space<vmem>>) offsets(%dma_start3A_355 : memref<64xi32, #tpu.memory_space<vmem>>) semaphore(%arg17 : memref<!tpu.dma_semaphore, #tpu.memory_space<semaphore_mem>>)
        } else {
        }
        %add3A_322 = arith.constant 3 : i32
        %add3A_323 = arith.addi %scan3A_77, %add3A_322 : i32
        %jit3A_324 = arith.constant 6 : i32
        %eq3A_325 = arith.constant 0 : i32
        %eq3A_326 = arith.cmpi eq, %jit3A_324, %eq3A_325 : i32
        %jit3A_327 = arith.constant 1 : i32
        %select_n3A_328 = arith.select %eq3A_326, %jit3A_327, %jit3A_324 : i32
        %rem3A_329 = arith.remsi %add3A_323, %select_n3A_328 : i32
        %ne3A_330 = arith.constant 0 : i32
        %ne3A_331 = arith.cmpi ne, %rem3A_329, %ne3A_330 : i32
        %lt3A_332 = arith.constant 0 : i32
        %lt3A_333 = arith.cmpi slt, %rem3A_329, %lt3A_332 : i32
        %lt3A_334 = arith.constant 0 : i32
        %lt3A_335 = arith.cmpi slt, %select_n3A_328, %lt3A_334 : i32
        %ne3A_336 = arith.xori %lt3A_333, %lt3A_335 : i1
        %and3A_337 = arith.andi %ne3A_336, %ne3A_331 : i1
        %add3A_338 = arith.addi %rem3A_329, %select_n3A_328 : i32
        %select_n3A_339 = arith.select %and3A_337, %add3A_338, %rem3A_329 : i32
        %eq3A_340 = arith.constant 5 : i32
        %eq3A_341 = arith.cmpi eq, %select_n3A_339, %eq3A_340 : i32
        %convert_element_type3A_342 = arith.extui %eq3A_341 : i1 to i32
        %cond3A_343 = arith.constant 0 : i32
        %cond3A_344 = arith.cmpi ne, %convert_element_type3A_342, %cond3A_343 : i32
        scf.if %cond3A_344 {
          %add3A_345 = arith.constant 3 : i32
          %add3A_346 = arith.addi %scan3A_77, %add3A_345 : i32
          %ge3A = arith.constant 6 : i32
          %ge3A_347 = arith.cmpi sge, %add3A_346, %ge3A : i32
          %convert_element_type3A_348 = arith.extui %ge3A_347 : i1 to i32
          %cond3A_349 = arith.constant 0 : i32
          %cond3A_350 = arith.cmpi ne, %convert_element_type3A_348, %cond3A_349 : i32
          scf.if %cond3A_350 {
            %dma_wait3A_359 = arith.constant 0 : i32
            %dma_wait3A_360 = arith.constant 0 : i32
            %dma_wait3A_361 = tpu.memref_slice %arg4[%dma_wait3A_359, %dma_wait3A_360] : memref<262144x128xf32, #tpu.memory_space<hbm>> -> memref<64x128xf32, #tpu.memory_space<hbm>>
            %dma_wait3A_362 = arith.constant 0 : i32
            %dma_wait3A_363 = arith.constant 0 : i32
            %dma_wait3A_364 = tpu.memref_slice %arg4[%dma_wait3A_362, %dma_wait3A_363] : memref<262144x128xf32, #tpu.memory_space<hbm>> -> memref<64x128xf32, #tpu.memory_space<hbm>>
            tpu.wait_dma2 semaphore(%arg24 : memref<!tpu.dma_semaphore, #tpu.memory_space<semaphore_mem>>) src(%arg12 : memref<64x128xf32, #tpu.memory_space<vmem>>) dst(%dma_wait3A_364 : memref<64x128xf32, #tpu.memory_space<hbm>>)
          } else {
          }
          %add3A_351 = arith.constant 3 : i32
          %add3A_352 = arith.addi %scan3A_77, %add3A_351 : i32
          %dma_start3A_353 = arith.constant 0 : i32
          %dma_start3A_354 = tpu.memref_slice %arg6[%add3A_352, %dma_start3A_353] : memref<128x64xi32, #tpu.memory_space<vmem>> -> memref<1x64xi32, #tpu.memory_space<vmem>>
          %dma_start3A_355 = tpu.memref_squeeze %dma_start3A_354 : memref<1x64xi32, #tpu.memory_space<vmem>> -> memref<64xi32, #tpu.memory_space<vmem>>
          %dma_start3A_356 = arith.constant 0 : i32
          %dma_start3A_357 = arith.constant 0 : i32
          %dma_start3A_358 = tpu.memref_slice %arg5[%dma_start3A_356, %dma_start3A_357] : memref<87x128xf32, #tpu.memory_space<vmem_shared>> -> memref<87x128xf32, #tpu.memory_space<vmem_shared>>
          tpu.enqueue_indirect_dma source(%dma_start3A_358 : memref<87x128xf32, #tpu.memory_space<vmem_shared>>) target(%arg12 : memref<64x128xf32, #tpu.memory_space<vmem>>) offsets(%dma_start3A_355 : memref<64xi32, #tpu.memory_space<vmem>>) semaphore(%arg18 : memref<!tpu.dma_semaphore, #tpu.memory_space<semaphore_mem>>)
        } else {
        }
      } else {
      }
      %scan3A_206 = arith.constant 0 : i32
      scf.yield %scan3A_206 : i32
    }
    %scan3A_41 = arith.constant 128 : i32
    %dma_wait3A = arith.constant 0 : i32
    %dma_wait3A_42 = arith.constant 0 : i32
    %dma_wait3A_43 = tpu.memref_slice %arg4[%dma_wait3A, %dma_wait3A_42] : memref<262144x128xf32, #tpu.memory_space<hbm>> -> memref<64x128xf32, #tpu.memory_space<hbm>>
    %dma_wait3A_44 = arith.constant 0 : i32
    %dma_wait3A_45 = arith.constant 0 : i32
    %dma_wait3A_46 = tpu.memref_slice %arg4[%dma_wait3A_44, %dma_wait3A_45] : memref<262144x128xf32, #tpu.memory_space<hbm>> -> memref<64x128xf32, #tpu.memory_space<hbm>>
    tpu.wait_dma2 semaphore(%arg19 : memref<!tpu.dma_semaphore, #tpu.memory_space<semaphore_mem>>) src(%arg7 : memref<64x128xf32, #tpu.memory_space<vmem>>) dst(%dma_wait3A_46 : memref<64x128xf32, #tpu.memory_space<hbm>>)
    %dma_wait3A_47 = arith.constant 0 : i32
    %dma_wait3A_48 = arith.constant 0 : i32
    %dma_wait3A_49 = tpu.memref_slice %arg4[%dma_wait3A_47, %dma_wait3A_48] : memref<262144x128xf32, #tpu.memory_space<hbm>> -> memref<64x128xf32, #tpu.memory_space<hbm>>
    %dma_wait3A_50 = arith.constant 0 : i32
    %dma_wait3A_51 = arith.constant 0 : i32
    %dma_wait3A_52 = tpu.memref_slice %arg4[%dma_wait3A_50, %dma_wait3A_51] : memref<262144x128xf32, #tpu.memory_space<hbm>> -> memref<64x128xf32, #tpu.memory_space<hbm>>
    tpu.wait_dma2 semaphore(%arg20 : memref<!tpu.dma_semaphore, #tpu.memory_space<semaphore_mem>>) src(%arg8 : memref<64x128xf32, #tpu.memory_space<vmem>>) dst(%dma_wait3A_52 : memref<64x128xf32, #tpu.memory_space<hbm>>)
    %dma_wait3A_53 = arith.constant 0 : i32
    %dma_wait3A_54 = arith.constant 0 : i32
    %dma_wait3A_55 = tpu.memref_slice %arg4[%dma_wait3A_53, %dma_wait3A_54] : memref<262144x128xf32, #tpu.memory_space<hbm>> -> memref<64x128xf32, #tpu.memory_space<hbm>>
    %dma_wait3A_56 = arith.constant 0 : i32
    %dma_wait3A_57 = arith.constant 0 : i32
    %dma_wait3A_58 = tpu.memref_slice %arg4[%dma_wait3A_56, %dma_wait3A_57] : memref<262144x128xf32, #tpu.memory_space<hbm>> -> memref<64x128xf32, #tpu.memory_space<hbm>>
    tpu.wait_dma2 semaphore(%arg21 : memref<!tpu.dma_semaphore, #tpu.memory_space<semaphore_mem>>) src(%arg9 : memref<64x128xf32, #tpu.memory_space<vmem>>) dst(%dma_wait3A_58 : memref<64x128xf32, #tpu.memory_space<hbm>>)
    %dma_wait3A_59 = arith.constant 0 : i32
    %dma_wait3A_60 = arith.constant 0 : i32
    %dma_wait3A_61 = tpu.memref_slice %arg4[%dma_wait3A_59, %dma_wait3A_60] : memref<262144x128xf32, #tpu.memory_space<hbm>> -> memref<64x128xf32, #tpu.memory_space<hbm>>
    %dma_wait3A_62 = arith.constant 0 : i32
    %dma_wait3A_63 = arith.constant 0 : i32
    %dma_wait3A_64 = tpu.memref_slice %arg4[%dma_wait3A_62, %dma_wait3A_63] : memref<262144x128xf32, #tpu.memory_space<hbm>> -> memref<64x128xf32, #tpu.memory_space<hbm>>
    tpu.wait_dma2 semaphore(%arg22 : memref<!tpu.dma_semaphore, #tpu.memory_space<semaphore_mem>>) src(%arg10 : memref<64x128xf32, #tpu.memory_space<vmem>>) dst(%dma_wait3A_64 : memref<64x128xf32, #tpu.memory_space<hbm>>)
    %dma_wait3A_65 = arith.constant 0 : i32
    %dma_wait3A_66 = arith.constant 0 : i32
    %dma_wait3A_67 = tpu.memref_slice %arg4[%dma_wait3A_65, %dma_wait3A_66] : memref<262144x128xf32, #tpu.memory_space<hbm>> -> memref<64x128xf32, #tpu.memory_space<hbm>>
    %dma_wait3A_68 = arith.constant 0 : i32
    %dma_wait3A_69 = arith.constant 0 : i32
    %dma_wait3A_70 = tpu.memref_slice %arg4[%dma_wait3A_68, %dma_wait3A_69] : memref<262144x128xf32, #tpu.memory_space<hbm>> -> memref<64x128xf32, #tpu.memory_space<hbm>>
    tpu.wait_dma2 semaphore(%arg23 : memref<!tpu.dma_semaphore, #tpu.memory_space<semaphore_mem>>) src(%arg11 : memref<64x128xf32, #tpu.memory_space<vmem>>) dst(%dma_wait3A_70 : memref<64x128xf32, #tpu.memory_space<hbm>>)
    %dma_wait3A_71 = arith.constant 0 : i32
    %dma_wait3A_72 = arith.constant 0 : i32
    %dma_wait3A_73 = tpu.memref_slice %arg4[%dma_wait3A_71, %dma_wait3A_72] : memref<262144x128xf32, #tpu.memory_space<hbm>> -> memref<64x128xf32, #tpu.memory_space<hbm>>
    %dma_wait3A_74 = arith.constant 0 : i32
    %dma_wait3A_75 = arith.constant 0 : i32
    %dma_wait3A_76 = tpu.memref_slice %arg4[%dma_wait3A_74, %dma_wait3A_75] : memref<262144x128xf32, #tpu.memory_space<hbm>> -> memref<64x128xf32, #tpu.memory_space<hbm>>
    tpu.wait_dma2 semaphore(%arg24 : memref<!tpu.dma_semaphore, #tpu.memory_space<semaphore_mem>>) src(%arg12 : memref<64x128xf32, #tpu.memory_space<vmem>>) dst(%dma_wait3A_76 : memref<64x128xf32, #tpu.memory_space<hbm>>)
    return
  }
}

module attributes {stable_mosaic.version = 14 : i64} {
  func.func @_table_body(%arg0: memref<87x128xf32, #tpu.memory_space<vmem>>, %arg1: memref<87x20xf32, #tpu.memory_space<vmem>>, %arg2: memref<128x20xf32, #tpu.memory_space<vmem>>, %arg3: memref<87x128xf32, #tpu.memory_space<vmem>>) attributes {dimension_semantics = [], scalar_prefetch = 0 : i64, scratch_operands = 0 : i64, tpu.core_type = #tpu.core_type<tc>} {
    %get3A = arith.constant 0 : index
    %get3A_0 = arith.constant 0 : index
    %get3A_1 = vector.load %arg0[%get3A, %get3A_0] : memref<87x128xf32, #tpu.memory_space<vmem>>, vector<87x128xf32>
    %get3A_2 = arith.constant 0 : index
    %get3A_3 = arith.constant 0 : index
    %get3A_4 = vector.load %arg1[%get3A_2, %get3A_3] : memref<87x20xf32, #tpu.memory_space<vmem>>, vector<87x20xf32>
    %get3A_5 = arith.constant 0 : index
    %get3A_6 = arith.constant 0 : index
    %get3A_7 = vector.load %arg2[%get3A_5, %get3A_6] : memref<128x20xf32, #tpu.memory_space<vmem>>, vector<128x20xf32>
    %dot_general3A = arith.constant dense<0.000000e+00> : vector<87x128xf32>
    %dot_general3A_8 = tpu.matmul %get3A_4, %get3A_7, %dot_general3A {dimension_numbers = #tpu.dot_dimension_numbers<[1], [1], [0], [0], [0, 0, 1, 0], [], []>, transpose_lhs_hint = false} : vector<87x20xf32>, vector<128x20xf32>, vector<87x128xf32> -> vector<87x128xf32>
    %add3A = arith.addf %get3A_1, %dot_general3A_8 : vector<87x128xf32>
    %swap3A = arith.constant 0 : index
    %swap3A_9 = arith.constant 0 : index
    %swap3A_10 = vector.load %arg3[%swap3A, %swap3A_9] : memref<87x128xf32, #tpu.memory_space<vmem>>, vector<87x128xf32>
    tpu.vector_store %arg3[%swap3A, %swap3A_9], %add3A {strides = array<i32>} : memref<87x128xf32, #tpu.memory_space<vmem>>, vector<87x128xf32>,
    return
  }
}

</mosaic_0001>

<sc_bundles>
// kernel: kernel.4.cloned.1.call-start
scs
__scs_entry_jumppad:
0x0: {  	(pc) =	sbr.rel $0x88, $3  }
0x1: {  	(tag) =	ssettag $0x0;
	lr =	simm.s32 $0x1  }
0x2: {  	[smem:$0x3F9D] =	sst lr;
	_ =	strace $0xD0000000  }
0x3: {  	_ = 	snop  }
0x4: {  	_ = 	snop  }
0x5: {  	_ = 	snop  }
0x6: {  	_ = 	snop  }
0x7: {  	_ = 	snop  }
__scs_overlays_trampoline_lowered:
0x8: {  	[smem:$0x3FAC] =	sst s0  }
0x9: {  	[smem:$0x3FAD] =	sst s1  }
0xa: {  	[smem:$0x3FAE] =	sst s2  }
0xb: {  	[smem:$0x3FAF] =	sst s3  }
0xc: {  	[smem:$0x3FB0] =	sst s4  }
0xd: {  	[smem:$0x3FB1] =	sst s5  }
0xe: {  	[smem:$0x3FB2] =	sst s6  }
0xf: {  	[smem:$0x3FB3] =	sst s7  }
0x10: {  	[smem:$0x3FB4] =	sst s8  }
0x11: {  	[smem:$0x3FB5] =	sst s9;
	s0 =	simm.s32 @!p0 $0x0  }
0x12: {  	s1 =	sld [smem:$0x3F9B];
	s0 =	simm.s32 @p0 $0x1  }
0x13: {  	[smem:$0x3FB6] =	sst s0;
	s0 =	simm.s32 @!p1 $0x0  }
0x14: {  	s2 =	sld [smem:$0x3F9A];
	s0 =	simm.s32 @p1 $0x1  }
0x15: {  	[smem:$0x3FB7] =	sst s0;
	s0 =	simm.s32 @!p2 $0x0  }
0x16: {  	s3 =	sld [smem:$0x3FDB];
	s0 =	simm.s32 @p2 $0x1  }
0x17: {  	s4 =	simm.s32 $0x1BF5;
	[smem:$0x3FB9] =	sst s0  }
0x18: {  	s0 =	sld [smem:$0x3F9C];
	_ =	swait.ge [sflag:s4], $0x0  }
0x19: {  	s7 =	sld [smem:$0x3F9D]  }
0x1a: {  	s8 =	sadd.s32 $0xFFFFE003, lr  }
0x1b: {  	s9 =	sadd.s32 $0xFFFFFEF7, lr;
	s5 =	simm.s32 $0xFFFFFFFF;
	p2 =	slt.u32 s8, $0xFFFFF086  }
0x1c: {  	p1 =	slt.u32 s9, $0xF7A;
	s5 =	simm.s32 @!p2 $0x0  }
0x1d: {  	s5 =	simm.s32 @p1 $0x1;
	p0 =	seq.s32 s7, s2  }
0x1e: {  	s7 =	smul.u32 @!p0 $0xF7A, s2;
	p2 =	seq.s32 @!p0 s5, $0x0  }
0x1f: {  	s9 =	smul.u32 $0xF7A, s1;
	s8 =	simm.s32 @!p0 $0x1BF5;
	p2 =	por !p2, p0  }
0x20: {  	[sflag:s8] =	ssyncset.s32 @!p0 $0xFFFFF086;
	s6 =	sadd.s32 @!p0 s3, s7;
	s7 =	simm.s32 @!p0 $0x108  }
0x21: {  	s3 =	sadd.s32 s3, s9;
	s6 =	sadd.s32 @!p0 $0x88, s6;
	s7 =	simm.s32 @p2 $0x1082  }
0x22: {  	[simem:s7], [sflag:s8] =	dma.local @!p0 [hbm:s6], $0xF7A  }
0x23: {  	s9 =	sor.u32 $0xD0000000, s2;
	s6 =	simm.s32 $0x108;
	_ =	swait.ge @!p0 [sflag:s8], $0x0  }
0x24: {  	s3 =	sadd.s32 $0x88, s3;
	s6 =	simm.s32 @!p1 $0x1082;
	[sflag:s4] =	ssyncset.s32 $0xFFFFF086  }
0x25: {  	[simem:s6], [sflag:s4] =	dma.local [hbm:s3], $0xF7A  }
0x26: {  	[smem:$0x3F9D] =	sst s1;
	(tag) =	ssettag s2;
	_ =	strace s9  }
0x27: {  	s1 =	sld [smem:$0x3FAD]  }
0x28: {  	s2 =	sld [smem:$0x3FAE]  }
0x29: {  	s4 =	sld [smem:$0x3FB0]  }
0x2a: {  	p0 =	seq.s32 s5, $0x0;
	s5 =	sld [smem:$0x3FB1]  }
0x2b: {  	s6 =	sld [smem:$0x3FB2]  }
0x2c: {  	s7 =	sld [smem:$0x3FB3]  }
0x2d: {  	s3 =	simm.s32 $0x108;
	s8 =	sld [smem:$0x3FB4]  }
0x2e: {  	s3 =	simm.s32 @!p0 $0x1082;
	s9 =	sld [smem:$0x3FB5]  }
0x2f: {  	lr =	sadd.s32 s0, s3;
	s0 =	sld [smem:$0x3FAC]  }
0x30: {  	s3 =	sld [smem:$0x3FAF]  }
0x31: {  	[smem:$0x3FB8] =	sst s10  }
0x32: {  	s10 =	sld [smem:$0x3FB6];
	_ =	sdelay $0x3  }
0x33: {  	p0 =	seq.s32 s10, $0x1;
	s10 =	sld [smem:$0x3FB8];
	_ =	sdelay $0x3  }
0x34: {  	[smem:$0x3FB8] =	sst s10  }
0x35: {  	s10 =	sld [smem:$0x3FB7];
	_ =	sdelay $0x3  }
0x36: {  	p1 =	seq.s32 s10, $0x1;
	s10 =	sld [smem:$0x3FB8];
	_ =	sdelay $0x3  }
0x37: {  	[smem:$0x3FB8] =	sst s10  }
0x38: {  	s10 =	sld [smem:$0x3FB9]  }
0x39: {  	_ = 	snop;
	(pc) =	sbr.ind lr, $3  }
0x3a: {  	_ = 	snop  }
0x3b: {  	_ = 	snop  }
0x3c: {  	p2 =	seq.s32 s10, $0x1;
	s10 =	sld [smem:$0x3FB8]  }
0x3d: {  	_ =	shalt  }
0x3e: {  	_ =	shalt  }
0x3f: {  	_ =	shalt  }
0x40: {  	_ =	shalt  }
0x41: {  	_ =	shalt  }
0x42: {  	_ =	shalt  }
0x43: {  	_ =	shalt  }
0x44: {  	_ =	shalt  }
0x45: {  	_ =	shalt  }
0x46: {  	_ =	shalt  }
0x47: {  	_ =	shalt  }
0x48: {  	_ =	shalt  }
0x49: {  	_ =	shalt  }
0x4a: {  	_ =	shalt  }
0x4b: {  	_ =	shalt  }
0x4c: {  	_ =	shalt  }
0x4d: {  	_ =	shalt  }
0x4e: {  	_ =	shalt  }
0x4f: {  	_ =	shalt  }
0x50: {  	_ =	shalt  }
0x51: {  	_ =	shalt  }
0x52: {  	_ =	shalt  }
0x53: {  	_ =	shalt  }
0x54: {  	_ =	shalt  }
0x55: {  	_ =	shalt  }
0x56: {  	_ =	shalt  }
0x57: {  	_ =	shalt  }
0x58: {  	_ =	shalt  }
0x59: {  	_ =	shalt  }
0x5a: {  	_ =	shalt  }
0x5b: {  	_ =	shalt  }
0x5c: {  	_ =	shalt  }
0x5d: {  	_ =	shalt  }
0x5e: {  	_ =	shalt  }
0x5f: {  	_ =	shalt  }
0x60: {  	_ =	shalt  }
0x61: {  	_ =	shalt  }
0x62: {  	_ =	shalt  }
0x63: {  	_ =	shalt  }
0x64: {  	_ =	shalt  }
0x65: {  	_ =	shalt  }
0x66: {  	_ =	shalt  }
0x67: {  	_ =	shalt  }
0x68: {  	_ =	shalt  }
0x69: {  	_ =	shalt  }
0x6a: {  	_ =	shalt  }
0x6b: {  	_ =	shalt  }
0x6c: {  	_ =	shalt  }
0x6d: {  	_ =	shalt  }
0x6e: {  	_ =	shalt  }
0x6f: {  	_ =	shalt  }
0x70: {  	_ =	shalt  }
0x71: {  	_ =	shalt  }
0x72: {  	_ =	shalt  }
0x73: {  	_ =	shalt  }
0x74: {  	_ =	shalt  }
0x75: {  	_ =	shalt  }
0x76: {  	_ =	shalt  }
0x77: {  	_ =	shalt  }
0x78: {  	_ =	shalt  }
0x79: {  	_ =	shalt  }
0x7a: {  	_ =	shalt  }
0x7b: {  	_ =	shalt  }
0x7c: {  	_ =	shalt  }
0x7d: {  	_ =	shalt  }
0x7e: {  	_ =	shalt  }
0x7f: {  	_ =	shalt  }
0x80: {  	_ =	shalt  }
0x81: {  	_ =	shalt  }
0x82: {  	_ =	shalt  }
0x83: {  	_ =	shalt  }
0x84: {  	_ =	shalt  }
0x85: {  	_ =	shalt  }
0x86: {  	_ =	shalt  }
0x87: {  	_ =	shalt  }
.Lfunc_end0:
.L_simem_size_0:
called_computation_lowered:
.L_overlay_start_0:
0x88: {  	s2 =	sld [smem:$0x3FD9]  }
0x89: {  	s3 =	sld [smem:$0x3FFE];
	_ =	sdelay $0x1  }
0x8a: {  	s1 =	srdreg.scid  }
0x8b: {  	s0 =	sand.u32 $0x1, s1  }
0x8c: {  	s17 =	sshll.u32 s0, $0xA;
	s2 =	sadd.s32 s3, s2  }
0x8d: {  	s2 =	sadd.s32 s2, s17  }
0x8e: {  	[smem:$0x3FC4] =	sst s2  }
0x8f: {  	_ = 	snop  }
0x90: {  	s2 =	sld [smem:$0x3FD0];
	(tm) =	ssettm $0x1  }
0x91: {  	s18 =	sld [smem:$0x3FFB];
	_ =	sdelay $0x3  }
0x92: {  	_ =	strace s18  }
0x93: {  	s3 =	sld [smem:$0x3FFC];
	_ =	sdelay $0x3  }
0x94: {  	_ =	strace s3  }
0x95: {  	s3 =	sld [smem:$0x3FFD];
	_ =	sdelay $0x3  }
0x96: {  	_ =	strace s3  }
0x97: {  	_ =	strace $0x8FFFFFFF  }
0x98: {  	s19 =	sld [smem:$0x3FDB];
	_ =	sdelay $0x1  }
0x99: {  	s4 =	simm.s32 $_scs_section_size  }
0x9a: {  	s5 =	simm.s32 $_size__tile_overlayer_lowered;
	s6 =	simm.s32 $_tile_overlayer_lowered  }
0x9b: {  	s22 =	simm.s32 $0x1BFF;
	s21 =	sshll.u32 s6, $0x1;
	s3 =	sadd.s32 s4, s19  }
0x9c: {  	s7 =	simm.s32 $0x0;
	s20 =	sshll.u32 s5, $0x1;
	s5 =	sadd.s32 s21, s3  }
0x9d: {  	[timem:s7], [sflag:s22] =	dma.local [hbm:s5], s20  }
0x9e: {  	_ =	swait.ge [sflag:s22], s20  }
0x9f: {  	s4 =	ssub.s32 $0x0, s20;
	[sflag:s22] =	ssyncset.done $0x0  }
0xa0: {  	[sflag:s22] =	ssyncadd.s32 s4;
	_ =	sdelay $0x1  }
0xa1: {  	s23 =	simm.s32 $0x1B8B  }
0xa2: {  	_ =	swait.ge [sflag:s23], $0x1  }
0xa3: {  	[sflag:s23] =	ssyncset.done $0x0  }
0xa4: {  	s25 =	simm.s32 $0x1B8E;
	s24 =	sld [smem:$0x3FFE];
	[sflag:s23] =	ssyncadd.s32 $0xFFFFFFFF  }
0xa5: {  	s26 =	simm.s32 $execute0_lowered;
	[smem:$0x3FD2] =	sst s25  }
0xa6: {  	s5 =	sshll.u32 s26, $0x1;
	_ =	strace $0x80000046;
	[dreg:$0x1] =	wrdreg $0xFFFFFFFF  }
0xa7: {  	s28 =	simm.s32 $_size_execute0_lowered;
	s3 =	sadd.s32 s3, s5;
	[dreg:$0x0] =	wrdreg $0x0  }
0xa8: {  	s5 =	sshll.u32 s28, $0x1;
	[dreg:$0x2] =	wrdreg s3  }
0xa9: {  	[dreg:$0x3] =	wrdreg s5  }
0xaa: {  	[dreg:$0x4] =	wrdreg $0xC0  }
0xab: {  	_ =	task [dreg:s7], $0x5FFFF  }
0xac: {  	[dreg:$0x1] =	wrdreg $0xFFFFFFFF  }
0xad: {  	[dreg:$0x0] =	wrdreg $0x60  }
0xae: {  	[dreg:$0x2] =	wrdreg s24  }
0xaf: {  	[dreg:$0x3] =	wrdreg s2  }
0xb0: {  	[dreg:$0x4] =	wrdreg $0x0  }
0xb1: {  	[dreg:$0x5] =	wrdreg $0x9  }
0xb2: {  	_ =	task.clear_ibuf [dreg:s7], $0x6FFFF;
	_ =	strace $0x90000046  }
0xb3: {  	s29 =	simm.s32 $0x9;
	_ =	strace $0x80000048  }
0xb4: {  	_ =	swait.ge [sflag:s29], $0x1  }
0xb5: {  	[sflag:s29] =	ssyncadd.s32 $0xFFFFFFFF  }
0xb6: {  	_ =	strace $0x90000048  }
0xb7: {  	_ =	sfence  }
0xb8: {  	s30 =	sld [smem:$0x0];
	_ =	sdelay $0x2  }
0xb9: {  	s31 =	sshll.u32 s1, $0xD;
	s1 =	sshrl.u32 s1, $0x2  }
0xba: {  	s3 =	sand.u32 $0x4000, s31;
	s1 =	sadd.s32 s1, s30  }
0xbb: {  	s0 =	sor.u32 s3, s0;
	s1 =	sshll.u32 s1, $0x11  }
0xbc: {  	s0 =	sor.u32 s1, s0  }
0xbd: {  	s0 =	sadd.s32 $0x8F2B, s0  }
0xbe: {  	[sflag:s0] =	ssyncadd.remote.s32 $0x1  }
0xbf: {  	_ =	sfence.sel $0xFFFF  }
0xc0: {  	[dreg:$0x0] =	wrdreg $0xFFFFFFFF;
	(pc) =	sbr.abs _section_cstart, $3  }
0xc1: {  	[dreg:$0x1] =	wrdreg $0xFFFFFFFF  }
0xc2: {  	_ =	task.clear_ibuf [dreg:s7], $0x2FFFF;
	_ =	strace $0x9FFFFFFF  }
0xc3: {  	(tm) =	ssettm $0x7FFFFFFF  }
tec
execute0_lowered:
.L_overlay_start_1:
0x0: {  	(tag) =	ssettag $0x1  }
0x1: {  	s3 =	rddreg [dreg:$0x0]  }
0x2: {  	s7 =	rddreg [dreg:$0x1]  }
0x3: {  	s1 =	rddreg [dreg:$0x2]  }
0x4: {  	s2 =	srdreg.scid;
	s0 =	rddreg [dreg:$0x3]  }
0x5: {  	s8 =	stileid.u32;
	s11 =	simm.s32 $0x40;
	s12 =	simm.s32 $0x42B8  }
0x6: {  	s13 =	simm.s32 $0x338;
	s14 =	simm.s32 $0x62B8;
	s15 =	simm.s32 $0x3B8  }
0x7: {  	s16 =	simm.s32 $0x82B8;
	s17 =	simm.s32 $0x6B8;
	s18 =	simm.s32 $0x7  }
0x8: {  	s19 =	simm.s32 $0x8;
	s20 =	simm.s32 $0x9;
	s21 =	simm.s32 $0xA  }
0x9: {  	s22 =	simm.s32 $0xB;
	s23 =	simm.s32 $0xC;
	s24 =	simm.s32 $0x0  }
0xa: {  	s9 =	sand.u32 $0x1, s2;
	s2 =	simm.s32 $0x0;
	s4 =	sshll.u32 s8, $0xC  }
0xb: {  	s31 =	sshll.u32 s8, $0x12;
	p0 =	sne.s32 s8, $0x0;
	s5 =	sshll.u32 s9, $0xB  }
0xc: {  	[smem:$0x7FF] =	sst s2;
	s29 =	ssub.s32 $0x2, s9;
	s7 =	sadd.s32 s31, s7  }
.Ltmp0:
0xd: {  	s9 =	sshll.u32 s9, $0x11;
	s8 =	sshrl.u32 @!p0 s1, $0x3;
	(pc) =	sbr.rel .LBB2_1-.Ltmp0, $4  }
0xe: {  	s4 =	sor.u32 s5, s4;
	_ =	strace $0x80000047;
	s30 =	sshrl.u32 s29, $0x1  }
0xf: {  	s7 =	sadd.s32 s9, s7;
	s9 =	simm.s32 $0x2B8;
	s6 =	sadd.s32 s4, s3  }
0x10: {  	s3 =	sadd.s32 $0x10800, s3;
	s10 =	ssub.s32 s29, s30;
	s4 =	sadd.s32 $0x800, s6  }
0x11: {  	s5 =	sadd.s32 $0x880, s6;
	s6 =	smax.u32 s10, $0x1;
	s10 =	simm.s32 $0xE  }
.LBB2_5:
0x12: {  	_ =	swait.ge [sflag:s18], $0x2000  }
0x13: {  	[sflag:s18] =	ssyncset.done $0x0  }
0x14: {  	[sflag:s18] =	ssyncadd.s32 $0xFFFFE000  }
0x15: {  	_ =	swait.ge [sflag:s19], $0x2000  }
0x16: {  	[sflag:s19] =	ssyncset.done $0x0  }
0x17: {  	[sflag:s19] =	ssyncadd.s32 $0xFFFFE000  }
0x18: {  	_ =	swait.ge [sflag:s20], $0x2000  }
0x19: {  	[sflag:s20] =	ssyncset.done $0x0  }
0x1a: {  	[sflag:s20] =	ssyncadd.s32 $0xFFFFE000  }
0x1b: {  	_ =	swait.ge [sflag:s21], $0x2000  }
0x1c: {  	[sflag:s21] =	ssyncset.done $0x0  }
0x1d: {  	s24 =	sadd.s32 $0x1, s24;
	[sflag:s21] =	ssyncadd.s32 $0xFFFFE000  }
0x1e: {  	p1 =	sne.s32 s24, s6;
	_ =	swait.ge [sflag:s22], $0x2000  }
.Ltmp1:
0x1f: {  	[sflag:s22] =	ssyncset.done $0x0;
	(pc) =	sbr.rel @!p1 .LBB2_6-.Ltmp1, $4  }
0x20: {  	[sflag:s22] =	ssyncadd.s32 $0xFFFFE000  }
0x21: {  	_ =	swait.ge [sflag:s23], $0x2000  }
0x22: {  	[sflag:s23] =	ssyncset.done $0x0  }
0x23: {  	[sflag:s23] =	ssyncadd.s32 $0xFFFFE000  }
.LBB2_1:
0x24: {  	s25 =	simm.s32 @!p0 $0x1C0D  }
0x25: {  	[spmem:s8], [sflag:s25] =	dma.local @!p0 [hbm:s3], $0x570  }
0x26: {  	[tilespmem:s9], [sflag:$0xE] =	stream.linear.gather [hbm4b:s4+s2], $0x400, $0x38;
	[tilespmem:$0x102B8] =	vst v63  }
0x27: {  	_ =	swait.ge [sflag:s10], $0x400  }
0x28: {  	[sflag:s10] =	ssyncset.done $0x0  }
0x29: {  	s25 =	simm.s32 @!p0 $0xD;
	[sflag:s10] =	ssyncadd.s32 $0xFFFFFC00  }
0x2a: {  	_ =	swait.ge @!p0 [sflag:s25], $0x570  }
0x2b: {  	[sflag:s25] =	ssyncset.done @!p0 $0x0  }
0x2c: {  	[sflag:s25] =	ssyncadd.s32 @!p0 $0xFFFFFA90  }
0x2d: {  	[bflag:$0x0] =	sbarrier.arrive $0xFFFF  }
0x2e: {  	[tilespmem:s12], [sflag:$0x1] =	stream.indirect.gather [spmem:s1], $0x80, s9, s11, $0xb8;
	[tilespmem:$0x102B8] =	vst v63  }
0x2f: {  	_ = 	snop  }
0x30: {  	[tilespmem:s14], [sflag:$0x2] =	stream.indirect.gather [spmem:s1], $0x80, s13, s11, $0xb8;
	[tilespmem:$0x102B8] =	vst v63  }
0x31: {  	_ = 	snop  }
0x32: {  	[tilespmem:s16], [sflag:$0x3] =	stream.indirect.gather [spmem:s1], $0x80, s15, s11, $0xb8;
	[tilespmem:$0x102B8] =	vst v63  }
.Ltmp2:
0x33: {  	_ = 	snop;
	(pc) =	sbr.rel .LBB2_2-.Ltmp2, $4  }
0x34: {  	[tilespmem:s17], [sflag:$0xE] =	stream.linear.gather [hbm4b:s5+s2], $0x3C00, $0x38;
	[tilespmem:$0x102B8] =	vst v63  }
0x35: {  	_ =	swait.ge [sflag:s10], $0x3C00  }
0x36: {  	s26 =	smov.u32 s7;
	[sflag:s10] =	ssyncset.done $0x0  }
0x37: {  	s28 =	simm.s32 $0x0;
	s25 =	simm.s32 $0x438;
	[sflag:s10] =	ssyncadd.s32 $0xFFFFC400  }
.LBB2_4:
0x38: {  	s28 =	sadd.s32 $0x1, s28  }
0x39: {  	p1 =	sne.s32 s28, $0x80  }
.Ltmp3:
0x3a: {  	_ = 	snop;
	(pc) =	sbr.rel @!p1 .LBB2_5-.Ltmp3, $2  }
0x3b: {  	_ =	sdelay $0x2  }
0x3c: {  	s26 =	sadd.s32 $0x400, s26;
	s25 =	sadd.s32 $0x80, s25  }
.LBB2_2:
0x3d: {  	s29 =	smul.u32 $0xAB, s28;
	_ =	sdelay $0x1  }
0x3e: {  	s29 =	sshrl.u32 s29, $0xA  }
0x3f: {  	s29 =	sand.u32 $0x3F, s29  }
0x40: {  	s29 =	smul.u32 $0x6, s29;
	_ =	sdelay $0x1  }
0x41: {  	s29 =	ssub.s32 s28, s29  }
0x42: {  	s29 =	sand.u32 $0xFF, s29  }
0x43: {  	p1 =	sgt.s32 s29, $0x2  }
0x44: {  	p2 =	seq.s32 @p1 s29, $0x3  }
0x45: {  	p3 =	por !p2, !p1  }
0x46: {  	s30 =	simm.s32 @!p3 $0x4  }
0x47: {  	_ =	swait.ge @!p3 [sflag:s30], $0x2000  }
0x48: {  	[sflag:s30] =	ssyncset.done @!p3 $0x0  }
0x49: {  	s31 =	simm.s32 @!p3 $0xA2B8;
	[sflag:s30] =	ssyncadd.s32 @!p3 $0xFFFFE000;
	s30 =	simm.s32 @!p3 $0x0  }
0x4a: {  	[hbm4b:s26+s30] =	stream.linear.scatter @!p3 [tilespmem:s31], [sflag:$0xA], $0x2000, $0x38;
	[tilespmem:$0x102B8] =	vst v63  }
0x4b: {  	p3 =	por p2, !p1  }
0x4c: {  	p3 =	seq.s32 @!p3 s29, $0x4  }
0x4d: {  	p4 =	por @p1 !p3, p2  }
0x4e: {  	p4 =	por p4, !p1  }
0x4f: {  	s30 =	simm.s32 @!p4 $0x5  }
0x50: {  	p2 =	por @p1 p3, p2;
	_ =	swait.ge @!p4 [sflag:s30], $0x2000  }
0x51: {  	p2 =	por p2, !p1;
	[sflag:s30] =	ssyncset.done @!p4 $0x0  }
0x52: {  	s31 =	simm.s32 @!p4 $0xC2B8;
	[sflag:s30] =	ssyncadd.s32 @!p4 $0xFFFFE000;
	s30 =	simm.s32 @!p4 $0x0  }
0x53: {  	[hbm4b:s26+s30] =	stream.linear.scatter @!p4 [tilespmem:s31], [sflag:$0xB], $0x2000, $0x38;
	[tilespmem:$0x102B8] =	vst v63  }
0x54: {  	s30 =	simm.s32 @!p2 $0x6  }
0x55: {  	_ =	swait.ge @!p2 [sflag:s30], $0x2000  }
0x56: {  	[sflag:s30] =	ssyncset.done @!p2 $0x0  }
0x57: {  	s31 =	simm.s32 @!p2 $0xE2B8;
	[sflag:s30] =	ssyncadd.s32 @!p2 $0xFFFFE000;
	s30 =	simm.s32 @!p2 $0x0  }
0x58: {  	[hbm4b:s26+s30] =	stream.linear.scatter @!p2 [tilespmem:s31], [sflag:$0xC], $0x2000, $0x38;
	[tilespmem:$0x102B8] =	vst v63  }
0x59: {  	p2 =	seq.s32 @!p1 s29, $0x0  }
0x5a: {  	p3 =	por !p2, p1  }
0x5b: {  	s30 =	simm.s32 @!p3 $0x1  }
0x5c: {  	_ =	swait.ge @!p3 [sflag:s30], $0x2000  }
0x5d: {  	[sflag:s30] =	ssyncset.done @!p3 $0x0  }
0x5e: {  	s31 =	simm.s32 @!p3 $0x42B8;
	[sflag:s30] =	ssyncadd.s32 @!p3 $0xFFFFE000;
	s30 =	simm.s32 @!p3 $0x0  }
0x5f: {  	[hbm4b:s26+s30] =	stream.linear.scatter @!p3 [tilespmem:s31], [sflag:$0x7], $0x2000, $0x38;
	[tilespmem:$0x102B8] =	vst v63  }
0x60: {  	p3 =	por p2, p1  }
0x61: {  	p3 =	seq.s32 @!p3 s29, $0x1  }
0x62: {  	p4 =	por @!p1 !p3, p2  }
0x63: {  	p4 =	por p4, p1  }
0x64: {  	s29 =	simm.s32 @!p4 $0x2  }
0x65: {  	p2 =	por @!p1 p3, p2;
	_ =	swait.ge @!p4 [sflag:s29], $0x2000  }
0x66: {  	p1 =	por p2, p1;
	[sflag:s29] =	ssyncset.done @!p4 $0x0  }
0x67: {  	s30 =	simm.s32 @!p4 $0x62B8;
	[sflag:s29] =	ssyncadd.s32 @!p4 $0xFFFFE000;
	s29 =	simm.s32 @!p4 $0x0  }
0x68: {  	[hbm4b:s26+s29] =	stream.linear.scatter @!p4 [tilespmem:s30], [sflag:$0x8], $0x2000, $0x38;
	[tilespmem:$0x102B8] =	vst v63  }
0x69: {  	s29 =	simm.s32 @!p1 $0x3  }
0x6a: {  	_ =	swait.ge @!p1 [sflag:s29], $0x2000  }
0x6b: {  	[sflag:s29] =	ssyncset.done @!p1 $0x0  }
0x6c: {  	s30 =	simm.s32 @!p1 $0x82B8;
	[sflag:s29] =	ssyncadd.s32 @!p1 $0xFFFFE000;
	s29 =	simm.s32 @!p1 $0x0  }
0x6d: {  	[hbm4b:s26+s29] =	stream.linear.scatter @!p1 [tilespmem:s30], [sflag:$0x9], $0x2000, $0x38;
	[tilespmem:$0x102B8] =	vst v63  }
0x6e: {  	p1 =	sgt.u32 s28, $0x7C  }
.Ltmp4:
0x6f: {  	_ = 	snop;
	(pc) =	sbr.rel @p1 .LBB2_4-.Ltmp4, $1  }
0x70: {  	_ =	sdelay $0x3  }
0x71: {  	s29 =	sadd.s32 $0x3, s28  }
0x72: {  	s30 =	smul.u32 $0xAB, s29;
	_ =	sdelay $0x1  }
0x73: {  	s30 =	sshrl.u32 s30, $0xA  }
0x74: {  	s30 =	sand.u32 $0x3F, s30  }
0x75: {  	s30 =	smul.u32 $0x6, s30;
	_ =	sdelay $0x1  }
0x76: {  	s29 =	ssub.s32 s29, s30  }
0x77: {  	s29 =	sand.u32 $0xFF, s29  }
0x78: {  	p1 =	sgt.s32 s29, $0x2  }
0x79: {  	p2 =	seq.s32 @p1 s29, $0x3  }
0x7a: {  	p3 =	por !p2, !p1  }
0x7b: {  	p4 =	slt.u32 @!p3 s28, $0x3  }
0x7c: {  	p4 =	por @p1 p4, !p2  }
0x7d: {  	p4 =	por p4, !p1  }
0x7e: {  	s30 =	simm.s32 @!p4 $0xA  }
0x7f: {  	_ =	swait.ge @!p4 [sflag:s30], $0x2000  }
0x80: {  	[sflag:s30] =	ssyncset.done @!p4 $0x0  }
0x81: {  	s31 =	simm.s32 @!p3 $0xA2B8;
	[sflag:s30] =	ssyncadd.s32 @!p4 $0xFFFFE000;
	s30 =	simm.s32 @!p3 $0x40  }
0x82: {  	[tilespmem:s31], [sflag:$0x4] =	stream.indirect.gather @!p3 [spmem:s1], $0x80, s25, s30, $0xb8;
	[tilespmem:$0x102B8] =	vst v63  }
0x83: {  	p3 =	por p2, !p1  }
0x84: {  	p4 =	seq.s32 @!p3 s29, $0x4  }
0x85: {  	p5 =	por @p1 !p4, p2  }
0x86: {  	p5 =	por p5, !p1  }
0x87: {  	p6 =	slt.u32 @!p5 s28, $0x3  }
0x88: {  	p6 =	por @!p3 p6, !p4  }
0x89: {  	p6 =	por @p1 p6, p2  }
0x8a: {  	p6 =	por p6, !p1  }
0x8b: {  	s30 =	simm.s32 @!p6 $0xB  }
0x8c: {  	_ =	swait.ge @!p6 [sflag:s30], $0x2000  }
0x8d: {  	[sflag:s30] =	ssyncset.done @!p6 $0x0  }
0x8e: {  	s31 =	simm.s32 @!p5 $0xC2B8;
	[sflag:s30] =	ssyncadd.s32 @!p6 $0xFFFFE000;
	s30 =	simm.s32 @!p5 $0x40  }
0x8f: {  	[tilespmem:s31], [sflag:$0x5] =	stream.indirect.gather @!p5 [spmem:s1], $0x80, s25, s30, $0xb8;
	[tilespmem:$0x102B8] =	vst v63  }
0x90: {  	p5 =	por @p1 p4, p2  }
0x91: {  	p5 =	por p5, !p1  }
0x92: {  	p6 =	slt.u32 @!p5 s28, $0x3  }
0x93: {  	p3 =	por @!p3 p6, p4  }
0x94: {  	p2 =	por @p1 p3, p2  }
0x95: {  	p2 =	por p2, !p1  }
0x96: {  	s30 =	simm.s32 @!p2 $0xC  }
0x97: {  	_ =	swait.ge @!p2 [sflag:s30], $0x2000  }
0x98: {  	s31 =	simm.s32 @!p5 $0xE2B8;
	[sflag:s30] =	ssyncset.done @!p2 $0x0  }
0x99: {  	[sflag:s30] =	ssyncadd.s32 @!p2 $0xFFFFE000;
	s30 =	simm.s32 @!p5 $0x40;
	p2 =	seq.s32 @!p1 s29, $0x0  }
0x9a: {  	[tilespmem:s31], [sflag:$0x6] =	stream.indirect.gather @!p5 [spmem:s1], $0x80, s25, s30, $0xb8;
	[tilespmem:$0x102B8] =	vst v63  }
0x9b: {  	p3 =	por !p2, p1  }
0x9c: {  	p4 =	slt.u32 @!p3 s28, $0x3  }
0x9d: {  	p4 =	por @!p1 p4, !p2  }
0x9e: {  	p4 =	por p4, p1  }
0x9f: {  	s30 =	simm.s32 @!p4 $0x7  }
0xa0: {  	_ =	swait.ge @!p4 [sflag:s30], $0x2000  }
0xa1: {  	[sflag:s30] =	ssyncset.done @!p4 $0x0  }
0xa2: {  	s31 =	simm.s32 @!p3 $0x42B8;
	[sflag:s30] =	ssyncadd.s32 @!p4 $0xFFFFE000;
	s30 =	simm.s32 @!p3 $0x40  }
0xa3: {  	[tilespmem:s31], [sflag:$0x1] =	stream.indirect.gather @!p3 [spmem:s1], $0x80, s25, s30, $0xb8;
	[tilespmem:$0x102B8] =	vst v63  }
0xa4: {  	p3 =	por p2, p1  }
0xa5: {  	p4 =	seq.s32 @!p3 s29, $0x1  }
0xa6: {  	p5 =	por @!p1 !p4, p2  }
0xa7: {  	p5 =	por p5, p1  }
0xa8: {  	p6 =	slt.u32 @!p5 s28, $0x3  }
0xa9: {  	p6 =	por @!p3 p6, !p4  }
0xaa: {  	p6 =	por @!p1 p6, p2  }
0xab: {  	p6 =	por p6, p1  }
0xac: {  	s29 =	simm.s32 @!p6 $0x8  }
0xad: {  	_ =	swait.ge @!p6 [sflag:s29], $0x2000  }
0xae: {  	[sflag:s29] =	ssyncset.done @!p6 $0x0  }
0xaf: {  	s30 =	simm.s32 @!p5 $0x62B8;
	[sflag:s29] =	ssyncadd.s32 @!p6 $0xFFFFE000;
	s29 =	simm.s32 @!p5 $0x40  }
0xb0: {  	[tilespmem:s30], [sflag:$0x2] =	stream.indirect.gather @!p5 [spmem:s1], $0x80, s25, s29, $0xb8;
	[tilespmem:$0x102B8] =	vst v63  }
0xb1: {  	p5 =	por @!p1 p4, p2  }
0xb2: {  	p5 =	por p5, p1  }
0xb3: {  	p6 =	slt.u32 @!p5 s28, $0x3  }
0xb4: {  	p3 =	por @!p3 p6, p4  }
0xb5: {  	p2 =	por @!p1 p3, p2  }
0xb6: {  	p1 =	por p2, p1  }
.Ltmp5:
0xb7: {  	s29 =	simm.s32 @!p1 $0x9;
	(pc) =	sbr.rel .LBB2_4-.Ltmp5, $4  }
0xb8: {  	_ =	swait.ge @!p1 [sflag:s29], $0x2000  }
0xb9: {  	[sflag:s29] =	ssyncset.done @!p1 $0x0  }
0xba: {  	s30 =	simm.s32 @!p5 $0x82B8;
	[sflag:s29] =	ssyncadd.s32 @!p1 $0xFFFFE000;
	s29 =	simm.s32 @!p5 $0x40  }
0xbb: {  	[tilespmem:s30], [sflag:$0x3] =	stream.indirect.gather @!p5 [spmem:s1], $0x80, s25, s29, $0xb8;
	[tilespmem:$0x102B8] =	vst v63  }
.LBB2_6:
0xbc: {  	_ =	sfence.sel $0x180000  }
0xbd: {  	[bflag:$0x0] =	sbarrier.arrive $0xFFFF  }
0xbe: {  	_ =	strace $0x90000047  }
0xbf: {  	s0 =	sadd.s32 @!p0 $0x100000, s0;
	[bflag:$0x2] =	sbarrier.arrive $0xFFFF  }
0xc0: {  	[sflag:s0] =	ssyncadd.tile.s32 @!p0 $0x1;
	_ =	shalt  }
.Lfunc_end2:
_tile_overlayer_lowered:
.L_overlay_start_2:
0xc1: {  	(tag) =	ssettag $0x2  }
0xc2: {  	s0 =	rddreg [dreg:$0x0];
	s2 =	stileid.u32  }
0xc3: {  	s1 =	rddreg [dreg:$0x1];
	p0 =	sne.s32 s2, $0x0  }
0xc4: {  	s3 =	rddreg [dreg:$0x2];
	[bflag:$0x3] =	sbarrier.arrive $0xFFFF;
	s2 =	simm.s32 @!p0 $0x1C0E  }
0xc5: {  	[timem:s3], [sflag:s2] =	dma.local @!p0 [hbm:s0], s1  }
0xc6: {  	s0 =	simm.s32 @!p0 $0xE  }
0xc7: {  	_ =	swait.ge @!p0 [sflag:s0], s1  }
0xc8: {  	s1 =	ssub.s32 @!p0 $0x0, s1;
	[sflag:s0] =	ssyncset.done @!p0 $0x0  }
0xc9: {  	[sflag:s0] =	ssyncadd.s32 @!p0 s1  }
0xca: {  	[bflag:$0x3] =	sbarrier.arrive $0xFFFF  }
0xcb: {  	_ =	shalt  }

</sc_bundles>
